<compile_context>
chip_gen: v7x
topology: tpu7x:2x2x1
jax: 0.10.2.dev20260603
libtpu: 0.0.44.dev20260713+nightly
codegen_flags: <defaults>
</compile_context>

<pallas_src>
import functools

import jax
import jax.numpy as jnp
from jax import lax
from jax.experimental import pallas as pl
from jax.experimental.pallas import tpu as pltpu
from jax.experimental.pallas import tpu_sc as plsc

N_CORES = 2
N_SUBCORES = 16
N_WORKERS = N_CORES * N_SUBCORES
CHUNK = 128
LANES = 16


def _make_bpr_kernel(B, D):
    rows_per_w = B // N_WORKERS
    n_chunks = rows_per_w // CHUNK
    n_groups = rows_per_w // LANES
    mesh = plsc.VectorSubcoreMesh(core_axis_name="c", subcore_axis_name="s")

    @functools.partial(
        pl.kernel,
        mesh=mesh,
        compiler_params=pltpu.CompilerParams(
            needs_layout_passes=False, use_tc_tiling_on_sc=False),
        out_type=(
            jax.ShapeDtypeStruct((B,), jnp.float32),
            jax.ShapeDtypeStruct((B,), jnp.float32),
        ),
        scratch_types=[
            pltpu.VMEM((n_chunks, CHUNK), jnp.int32),
            pltpu.VMEM((n_chunks, CHUNK), jnp.int32),
            pltpu.VMEM((n_chunks, CHUNK), jnp.int32),
            pltpu.VMEM((rows_per_w, D), jnp.float32),
            pltpu.VMEM((rows_per_w, D), jnp.float32),
            pltpu.VMEM((rows_per_w, D), jnp.float32),
            pltpu.VMEM((rows_per_w,), jnp.float32),
            pltpu.VMEM((rows_per_w,), jnp.float32),
            pltpu.SemaphoreType.DMA,
        ],
    )
    def kern(user_hbm, item_hbm, u_hbm, i_hbm, j_hbm,
             pos_hbm, neg_hbm,
             u_v, i_v, j_v, ue_v, ie_v, je_v, pos_v, neg_v, sem):
        wid = lax.axis_index("s") * N_CORES + lax.axis_index("c")
        base = wid * rows_per_w

        pltpu.sync_copy(u_hbm.at[wid], u_v)
        pltpu.sync_copy(i_hbm.at[wid], i_v)
        pltpu.sync_copy(j_hbm.at[wid], j_v)

        copies = []
        for c in range(n_chunks):
            sl = pl.ds(c * CHUNK, CHUNK)
            copies.append(pltpu.async_copy(user_hbm.at[u_v.at[c]], ue_v.at[sl], sem))
            copies.append(pltpu.async_copy(item_hbm.at[i_v.at[c]], ie_v.at[sl], sem))
            copies.append(pltpu.async_copy(item_hbm.at[j_v.at[c]], je_v.at[sl], sem))
        for cp in copies:
            cp.wait()

        lanes = lax.iota(jnp.int32, LANES)

        def group_body(g, carry):
            rows = g * LANES + lanes
            acc_p = jnp.zeros((LANES,), jnp.float32)
            acc_n = jnp.zeros((LANES,), jnp.float32)
            for d in range(D):
                col = jnp.full((LANES,), d, jnp.int32)
                ue = plsc.load_gather(ue_v, [rows, col])
                ie = plsc.load_gather(ie_v, [rows, col])
                je = plsc.load_gather(je_v, [rows, col])
                acc_p = acc_p + ue * ie
                acc_n = acc_n + ue * je
            pos_v[pl.ds(g * LANES, LANES)] = acc_p
            neg_v[pl.ds(g * LANES, LANES)] = acc_n
            return carry

        lax.fori_loop(0, n_groups, group_body, 0)

        pltpu.sync_copy(pos_v, pos_hbm.at[pl.ds(base, rows_per_w)])
        pltpu.sync_copy(neg_v, neg_hbm.at[pl.ds(base, rows_per_w)])

    return kern


def kernel(u, i, j, labels, user_embed, item_embed):
    B = u.shape[0]
    D = user_embed.shape[1]
    u32 = u.astype(jnp.int32).reshape(N_WORKERS, -1, CHUNK)
    i32 = i.astype(jnp.int32).reshape(N_WORKERS, -1, CHUNK)
    j32 = j.astype(jnp.int32).reshape(N_WORKERS, -1, CHUNK)
    pos, neg = _make_bpr_kernel(B, D)(user_embed, item_embed, u32, i32, j32)
    return pos.reshape(B, 1), neg.reshape(B, 1)

# --- scband reference (transcript-rebuilt; emitter-appended) ---
"""Pipeline reference for scband-item-bprmodel-20882130993169 (READ-ONLY COPY).

The authoritative reference and input builder live on the scoring server;
editing this copy changes nothing except your own understanding.
"""

import jax, jax.numpy as jnp
import numpy as np

N_USER = 1000000
N_ITEM = 1000000
EMBED_DIM = 32
BATCH = 16384


def _xavier_normal(key, shape):
    fan_in, fan_out = shape[1], shape[0]
    std = float(np.sqrt(2.0 / (fan_in + fan_out)))
    return jax.random.normal(key, shape, dtype=jnp.float32) * std


def setup_inputs(seed: int = 0) -> dict:
    key = jax.random.key(seed)
    k_u, k_i, k_j, k_lbl, k_ue, k_ie = jax.random.split(key, 6)
    u = jax.random.randint(k_u, (BATCH, 1), 0, N_USER, dtype=jnp.int64)
    i = jax.random.randint(k_i, (BATCH, 1), 0, N_ITEM, dtype=jnp.int64)
    j = jax.random.randint(k_j, (BATCH, 1), 0, N_ITEM, dtype=jnp.int64)
    labels = jax.random.uniform(k_lbl, (BATCH, 1), dtype=jnp.float32)
    user_embed = _xavier_normal(k_ue, (N_USER, EMBED_DIM))
    item_embed = _xavier_normal(k_ie, (N_ITEM, EMBED_DIM))
    return {"u": u, "i": i, "j": j, "labels": labels,
            "user_embed": user_embed, "item_embed": item_embed}


def reference(u, i, j, labels, user_embed, item_embed):
    # u/i/j: int64[B, 1]; embedding lookup then squeeze(dim=1)
    ue = jnp.take(user_embed, u, axis=0).squeeze(axis=1)  # [B, D]
    ie = jnp.take(item_embed, i, axis=0).squeeze(axis=1)  # [B, D]
    je = jnp.take(item_embed, j, axis=0).squeeze(axis=1)  # [B, D]
    pos_logits = jnp.sum(ue * ie, axis=-1, keepdims=True)  # [B, 1]
    neg_logits = jnp.sum(ue * je, axis=-1, keepdims=True)  # [B, 1]
    return (pos_logits, neg_logits)

if __name__ == "__main__":
    import jax
    _d = setup_inputs()
    print(jax.jit(kernel)(*tuple(_d.values())))

</pallas_src>

<mosaic_0001>
#map = affine_map<(d0, d1) -> (0, 0)>
#map1 = affine_map<(d0, d1) -> (0, 0, 0)>
#map2 = affine_map<(d0, d1) -> (0)>
module attributes {stable_mosaic.version = 14 : i64} {
  func.func @kern(%arg0: i32, %arg1: i32, %arg2: memref<1000000x32xf32, #tpu.memory_space<hbm>>, %arg3: memref<1000000x32xf32, #tpu.memory_space<hbm>>, %arg4: memref<32x4x128xi32, #tpu.memory_space<hbm>>, %arg5: memref<32x4x128xi32, #tpu.memory_space<hbm>>, %arg6: memref<32x4x128xi32, #tpu.memory_space<hbm>>, %arg7: memref<16384xf32, #tpu.memory_space<hbm>>, %arg8: memref<16384xf32, #tpu.memory_space<hbm>>, %arg9: memref<4x128xi32, #tpu.memory_space<vmem>>, %arg10: memref<4x128xi32, #tpu.memory_space<vmem>>, %arg11: memref<4x128xi32, #tpu.memory_space<vmem>>, %arg12: memref<512x32xf32, #tpu.memory_space<vmem>>, %arg13: memref<512x32xf32, #tpu.memory_space<vmem>>, %arg14: memref<512x32xf32, #tpu.memory_space<vmem>>, %arg15: memref<512xf32, #tpu.memory_space<vmem>>, %arg16: memref<512xf32, #tpu.memory_space<vmem>>, %arg17: memref<!tpu.dma_semaphore, #tpu.memory_space<semaphore_mem>>) attributes {dimension_semantics = [#tpu.dimension_semantics<core_parallel>, #tpu.dimension_semantics<subcore_parallel>], iteration_bounds = array<i64: 2, 16>, scalar_prefetch = 0 : i64, scratch_operands = 9 : i64, tpu.core_type = #tpu.core_type<sc_vector_subcore>, window_params = [{transform_indices = #map}, {transform_indices = #map}, {transform_indices = #map1}, {transform_indices = #map1}, {transform_indices = #map1}, {transform_indices = #map2}, {transform_indices = #map2}]} {
    %mul3A = arith.constant 2 : i32
    %mul3A_0 = arith.muli %arg1, %mul3A : i32
    %add3A = arith.addi %mul3A_0, %arg0 : i32
    %mul3A_1 = arith.constant 512 : i32
    %mul3A_2 = arith.muli %add3A, %mul3A_1 : i32
    "tpu.region"() ({
      %run_scoped3A = tpu.sem_alloc : memref<!tpu.dma_semaphore, #tpu.memory_space<semaphore_mem>>
      %dma_start3A_246 = arith.constant 0 : i32
      %dma_start3A_247 = arith.constant 0 : i32
      %dma_start3A_248 = tpu.memref_slice %arg4[%add3A, %dma_start3A_246, %dma_start3A_247] : memref<32x4x128xi32, #tpu.memory_space<hbm>> -> memref<1x4x128xi32, #tpu.memory_space<hbm>>
      %dma_start3A_249 = tpu.memref_squeeze %dma_start3A_248 : memref<1x4x128xi32, #tpu.memory_space<hbm>> -> memref<4x128xi32, #tpu.memory_space<hbm>>
      %dma_start3A_250 = arith.constant 0 : i32
      %dma_start3A_251 = arith.constant 0 : i32
      %dma_start3A_252 = tpu.memref_slice %arg4[%add3A, %dma_start3A_250, %dma_start3A_251] : memref<32x4x128xi32, #tpu.memory_space<hbm>> -> memref<1x4x128xi32, #tpu.memory_space<hbm>>
      %dma_start3A_253 = tpu.memref_squeeze %dma_start3A_252 : memref<1x4x128xi32, #tpu.memory_space<hbm>> -> memref<4x128xi32, #tpu.memory_space<hbm>>
      tpu.enqueue_dma source(%dma_start3A_253 : memref<4x128xi32, #tpu.memory_space<hbm>>) target(%arg9 : memref<4x128xi32, #tpu.memory_space<vmem>>) target_semaphore(%run_scoped3A : memref<!tpu.dma_semaphore, #tpu.memory_space<semaphore_mem>>)
      %dma_wait3A_254 = arith.constant 0 : i32
      %dma_wait3A_255 = arith.constant 0 : i32
      %dma_wait3A_256 = tpu.memref_slice %arg4[%add3A, %dma_wait3A_254, %dma_wait3A_255] : memref<32x4x128xi32, #tpu.memory_space<hbm>> -> memref<1x4x128xi32, #tpu.memory_space<hbm>>
      %dma_wait3A_257 = tpu.memref_squeeze %dma_wait3A_256 : memref<1x4x128xi32, #tpu.memory_space<hbm>> -> memref<4x128xi32, #tpu.memory_space<hbm>>
      %dma_wait3A_258 = arith.constant 0 : i32
      %dma_wait3A_259 = arith.constant 0 : i32
      %dma_wait3A_260 = tpu.memref_slice %arg4[%add3A, %dma_wait3A_258, %dma_wait3A_259] : memref<32x4x128xi32, #tpu.memory_space<hbm>> -> memref<1x4x128xi32, #tpu.memory_space<hbm>>
      %dma_wait3A_261 = tpu.memref_squeeze %dma_wait3A_260 : memref<1x4x128xi32, #tpu.memory_space<hbm>> -> memref<4x128xi32, #tpu.memory_space<hbm>>
      tpu.wait_dma2 semaphore(%run_scoped3A : memref<!tpu.dma_semaphore, #tpu.memory_space<semaphore_mem>>) src(%dma_wait3A_261 : memref<4x128xi32, #tpu.memory_space<hbm>>) dst(%arg9 : memref<4x128xi32, #tpu.memory_space<vmem>>)
      tpu.yield
    }) : () -> ()
    "tpu.region"() ({
      %run_scoped3A = tpu.sem_alloc : memref<!tpu.dma_semaphore, #tpu.memory_space<semaphore_mem>>
      %dma_start3A_246 = arith.constant 0 : i32
      %dma_start3A_247 = arith.constant 0 : i32
      %dma_start3A_248 = tpu.memref_slice %arg5[%add3A, %dma_start3A_246, %dma_start3A_247] : memref<32x4x128xi32, #tpu.memory_space<hbm>> -> memref<1x4x128xi32, #tpu.memory_space<hbm>>
      %dma_start3A_249 = tpu.memref_squeeze %dma_start3A_248 : memref<1x4x128xi32, #tpu.memory_space<hbm>> -> memref<4x128xi32, #tpu.memory_space<hbm>>
      %dma_start3A_250 = arith.constant 0 : i32
      %dma_start3A_251 = arith.constant 0 : i32
      %dma_start3A_252 = tpu.memref_slice %arg5[%add3A, %dma_start3A_250, %dma_start3A_251] : memref<32x4x128xi32, #tpu.memory_space<hbm>> -> memref<1x4x128xi32, #tpu.memory_space<hbm>>
      %dma_start3A_253 = tpu.memref_squeeze %dma_start3A_252 : memref<1x4x128xi32, #tpu.memory_space<hbm>> -> memref<4x128xi32, #tpu.memory_space<hbm>>
      tpu.enqueue_dma source(%dma_start3A_253 : memref<4x128xi32, #tpu.memory_space<hbm>>) target(%arg10 : memref<4x128xi32, #tpu.memory_space<vmem>>) target_semaphore(%run_scoped3A : memref<!tpu.dma_semaphore, #tpu.memory_space<semaphore_mem>>)
      %dma_wait3A_254 = arith.constant 0 : i32
      %dma_wait3A_255 = arith.constant 0 : i32
      %dma_wait3A_256 = tpu.memref_slice %arg5[%add3A, %dma_wait3A_254, %dma_wait3A_255] : memref<32x4x128xi32, #tpu.memory_space<hbm>> -> memref<1x4x128xi32, #tpu.memory_space<hbm>>
      %dma_wait3A_257 = tpu.memref_squeeze %dma_wait3A_256 : memref<1x4x128xi32, #tpu.memory_space<hbm>> -> memref<4x128xi32, #tpu.memory_space<hbm>>
      %dma_wait3A_258 = arith.constant 0 : i32
      %dma_wait3A_259 = arith.constant 0 : i32
      %dma_wait3A_260 = tpu.memref_slice %arg5[%add3A, %dma_wait3A_258, %dma_wait3A_259] : memref<32x4x128xi32, #tpu.memory_space<hbm>> -> memref<1x4x128xi32, #tpu.memory_space<hbm>>
      %dma_wait3A_261 = tpu.memref_squeeze %dma_wait3A_260 : memref<1x4x128xi32, #tpu.memory_space<hbm>> -> memref<4x128xi32, #tpu.memory_space<hbm>>
      tpu.wait_dma2 semaphore(%run_scoped3A : memref<!tpu.dma_semaphore, #tpu.memory_space<semaphore_mem>>) src(%dma_wait3A_261 : memref<4x128xi32, #tpu.memory_space<hbm>>) dst(%arg10 : memref<4x128xi32, #tpu.memory_space<vmem>>)
      tpu.yield
    }) : () -> ()
    "tpu.region"() ({
      %run_scoped3A = tpu.sem_alloc : memref<!tpu.dma_semaphore, #tpu.memory_space<semaphore_mem>>
      %dma_start3A_246 = arith.constant 0 : i32
      %dma_start3A_247 = arith.constant 0 : i32
      %dma_start3A_248 = tpu.memref_slice %arg6[%add3A, %dma_start3A_246, %dma_start3A_247] : memref<32x4x128xi32, #tpu.memory_space<hbm>> -> memref<1x4x128xi32, #tpu.memory_space<hbm>>
      %dma_start3A_249 = tpu.memref_squeeze %dma_start3A_248 : memref<1x4x128xi32, #tpu.memory_space<hbm>> -> memref<4x128xi32, #tpu.memory_space<hbm>>
      %dma_start3A_250 = arith.constant 0 : i32
      %dma_start3A_251 = arith.constant 0 : i32
      %dma_start3A_252 = tpu.memref_slice %arg6[%add3A, %dma_start3A_250, %dma_start3A_251] : memref<32x4x128xi32, #tpu.memory_space<hbm>> -> memref<1x4x128xi32, #tpu.memory_space<hbm>>
      %dma_start3A_253 = tpu.memref_squeeze %dma_start3A_252 : memref<1x4x128xi32, #tpu.memory_space<hbm>> -> memref<4x128xi32, #tpu.memory_space<hbm>>
      tpu.enqueue_dma source(%dma_start3A_253 : memref<4x128xi32, #tpu.memory_space<hbm>>) target(%arg11 : memref<4x128xi32, #tpu.memory_space<vmem>>) target_semaphore(%run_scoped3A : memref<!tpu.dma_semaphore, #tpu.memory_space<semaphore_mem>>)
      %dma_wait3A_254 = arith.constant 0 : i32
      %dma_wait3A_255 = arith.constant 0 : i32
      %dma_wait3A_256 = tpu.memref_slice %arg6[%add3A, %dma_wait3A_254, %dma_wait3A_255] : memref<32x4x128xi32, #tpu.memory_space<hbm>> -> memref<1x4x128xi32, #tpu.memory_space<hbm>>
      %dma_wait3A_257 = tpu.memref_squeeze %dma_wait3A_256 : memref<1x4x128xi32, #tpu.memory_space<hbm>> -> memref<4x128xi32, #tpu.memory_space<hbm>>
      %dma_wait3A_258 = arith.constant 0 : i32
      %dma_wait3A_259 = arith.constant 0 : i32
      %dma_wait3A_260 = tpu.memref_slice %arg6[%add3A, %dma_wait3A_258, %dma_wait3A_259] : memref<32x4x128xi32, #tpu.memory_space<hbm>> -> memref<1x4x128xi32, #tpu.memory_space<hbm>>
      %dma_wait3A_261 = tpu.memref_squeeze %dma_wait3A_260 : memref<1x4x128xi32, #tpu.memory_space<hbm>> -> memref<4x128xi32, #tpu.memory_space<hbm>>
      tpu.wait_dma2 semaphore(%run_scoped3A : memref<!tpu.dma_semaphore, #tpu.memory_space<semaphore_mem>>) src(%dma_wait3A_261 : memref<4x128xi32, #tpu.memory_space<hbm>>) dst(%arg11 : memref<4x128xi32, #tpu.memory_space<vmem>>)
      tpu.yield
    }) : () -> ()
    %dma_start3A = arith.constant 0 : i32
    %dma_start3A_3 = arith.constant 0 : i32
    %dma_start3A_4 = arith.constant 0 : i32
    %dma_start3A_5 = tpu.memref_slice %arg12[%dma_start3A_3, %dma_start3A_4] : memref<512x32xf32, #tpu.memory_space<vmem>> -> memref<128x32xf32, #tpu.memory_space<vmem>>
    %dma_start3A_6 = arith.constant 0 : i32
    %dma_start3A_7 = tpu.memref_slice %arg9[%dma_start3A, %dma_start3A_6] : memref<4x128xi32, #tpu.memory_space<vmem>> -> memref<1x128xi32, #tpu.memory_space<vmem>>
    %dma_start3A_8 = tpu.memref_squeeze %dma_start3A_7 : memref<1x128xi32, #tpu.memory_space<vmem>> -> memref<128xi32, #tpu.memory_space<vmem>>
    %dma_start3A_9 = arith.constant 0 : i32
    %dma_start3A_10 = arith.constant 0 : i32
    %dma_start3A_11 = tpu.memref_slice %arg2[%dma_start3A_9, %dma_start3A_10] : memref<1000000x32xf32, #tpu.memory_space<hbm>> -> memref<1000000x32xf32, #tpu.memory_space<hbm>>
    tpu.enqueue_indirect_dma source(%dma_start3A_11 : memref<1000000x32xf32, #tpu.memory_space<hbm>>) target(%dma_start3A_5 : memref<128x32xf32, #tpu.memory_space<vmem>>) offsets(%dma_start3A_8 : memref<128xi32, #tpu.memory_space<vmem>>) semaphore(%arg17 : memref<!tpu.dma_semaphore, #tpu.memory_space<semaphore_mem>>)
    %dma_start3A_12 = arith.constant 0 : i32
    %dma_start3A_13 = arith.constant 0 : i32
    %dma_start3A_14 = arith.constant 0 : i32
    %dma_start3A_15 = tpu.memref_slice %arg13[%dma_start3A_13, %dma_start3A_14] : memref<512x32xf32, #tpu.memory_space<vmem>> -> memref<128x32xf32, #tpu.memory_space<vmem>>
    %dma_start3A_16 = arith.constant 0 : i32
    %dma_start3A_17 = tpu.memref_slice %arg10[%dma_start3A_12, %dma_start3A_16] : memref<4x128xi32, #tpu.memory_space<vmem>> -> memref<1x128xi32, #tpu.memory_space<vmem>>
    %dma_start3A_18 = tpu.memref_squeeze %dma_start3A_17 : memref<1x128xi32, #tpu.memory_space<vmem>> -> memref<128xi32, #tpu.memory_space<vmem>>
    %dma_start3A_19 = arith.constant 0 : i32
    %dma_start3A_20 = arith.constant 0 : i32
    %dma_start3A_21 = tpu.memref_slice %arg3[%dma_start3A_19, %dma_start3A_20] : memref<1000000x32xf32, #tpu.memory_space<hbm>> -> memref<1000000x32xf32, #tpu.memory_space<hbm>>
    tpu.enqueue_indirect_dma source(%dma_start3A_21 : memref<1000000x32xf32, #tpu.memory_space<hbm>>) target(%dma_start3A_15 : memref<128x32xf32, #tpu.memory_space<vmem>>) offsets(%dma_start3A_18 : memref<128xi32, #tpu.memory_space<vmem>>) semaphore(%arg17 : memref<!tpu.dma_semaphore, #tpu.memory_space<semaphore_mem>>)
    %dma_start3A_22 = arith.constant 0 : i32
    %dma_start3A_23 = arith.constant 0 : i32
    %dma_start3A_24 = arith.constant 0 : i32
    %dma_start3A_25 = tpu.memref_slice %arg14[%dma_start3A_23, %dma_start3A_24] : memref<512x32xf32, #tpu.memory_space<vmem>> -> memref<128x32xf32, #tpu.memory_space<vmem>>
    %dma_start3A_26 = arith.constant 0 : i32
    %dma_start3A_27 = tpu.memref_slice %arg11[%dma_start3A_22, %dma_start3A_26] : memref<4x128xi32, #tpu.memory_space<vmem>> -> memref<1x128xi32, #tpu.memory_space<vmem>>
    %dma_start3A_28 = tpu.memref_squeeze %dma_start3A_27 : memref<1x128xi32, #tpu.memory_space<vmem>> -> memref<128xi32, #tpu.memory_space<vmem>>
    %dma_start3A_29 = arith.constant 0 : i32
    %dma_start3A_30 = arith.constant 0 : i32
    %dma_start3A_31 = tpu.memref_slice %arg3[%dma_start3A_29, %dma_start3A_30] : memref<1000000x32xf32, #tpu.memory_space<hbm>> -> memref<1000000x32xf32, #tpu.memory_space<hbm>>
    tpu.enqueue_indirect_dma source(%dma_start3A_31 : memref<1000000x32xf32, #tpu.memory_space<hbm>>) target(%dma_start3A_25 : memref<128x32xf32, #tpu.memory_space<vmem>>) offsets(%dma_start3A_28 : memref<128xi32, #tpu.memory_space<vmem>>) semaphore(%arg17 : memref<!tpu.dma_semaphore, #tpu.memory_space<semaphore_mem>>)
    %dma_start3A_32 = arith.constant 1 : i32
    %dma_start3A_33 = arith.constant 128 : i32
    %dma_start3A_34 = arith.constant 0 : i32
    %dma_start3A_35 = tpu.memref_slice %arg12[%dma_start3A_33, %dma_start3A_34] : memref<512x32xf32, #tpu.memory_space<vmem>> -> memref<128x32xf32, #tpu.memory_space<vmem>>
    %dma_start3A_36 = arith.constant 0 : i32
    %dma_start3A_37 = tpu.memref_slice %arg9[%dma_start3A_32, %dma_start3A_36] : memref<4x128xi32, #tpu.memory_space<vmem>> -> memref<1x128xi32, #tpu.memory_space<vmem>>
    %dma_start3A_38 = tpu.memref_squeeze %dma_start3A_37 : memref<1x128xi32, #tpu.memory_space<vmem>> -> memref<128xi32, #tpu.memory_space<vmem>>
    %dma_start3A_39 = arith.constant 0 : i32
    %dma_start3A_40 = arith.constant 0 : i32
    %dma_start3A_41 = tpu.memref_slice %arg2[%dma_start3A_39, %dma_start3A_40] : memref<1000000x32xf32, #tpu.memory_space<hbm>> -> memref<1000000x32xf32, #tpu.memory_space<hbm>>
    tpu.enqueue_indirect_dma source(%dma_start3A_41 : memref<1000000x32xf32, #tpu.memory_space<hbm>>) target(%dma_start3A_35 : memref<128x32xf32, #tpu.memory_space<vmem>>) offsets(%dma_start3A_38 : memref<128xi32, #tpu.memory_space<vmem>>) semaphore(%arg17 : memref<!tpu.dma_semaphore, #tpu.memory_space<semaphore_mem>>)
    %dma_start3A_42 = arith.constant 1 : i32
    %dma_start3A_43 = arith.constant 128 : i32
    %dma_start3A_44 = arith.constant 0 : i32
    %dma_start3A_45 = tpu.memref_slice %arg13[%dma_start3A_43, %dma_start3A_44] : memref<512x32xf32, #tpu.memory_space<vmem>> -> memref<128x32xf32, #tpu.memory_space<vmem>>
    %dma_start3A_46 = arith.constant 0 : i32
    %dma_start3A_47 = tpu.memref_slice %arg10[%dma_start3A_42, %dma_start3A_46] : memref<4x128xi32, #tpu.memory_space<vmem>> -> memref<1x128xi32, #tpu.memory_space<vmem>>
    %dma_start3A_48 = tpu.memref_squeeze %dma_start3A_47 : memref<1x128xi32, #tpu.memory_space<vmem>> -> memref<128xi32, #tpu.memory_space<vmem>>
    %dma_start3A_49 = arith.constant 0 : i32
    %dma_start3A_50 = arith.constant 0 : i32
    %dma_start3A_51 = tpu.memref_slice %arg3[%dma_start3A_49, %dma_start3A_50] : memref<1000000x32xf32, #tpu.memory_space<hbm>> -> memref<1000000x32xf32, #tpu.memory_space<hbm>>
    tpu.enqueue_indirect_dma source(%dma_start3A_51 : memref<1000000x32xf32, #tpu.memory_space<hbm>>) target(%dma_start3A_45 : memref<128x32xf32, #tpu.memory_space<vmem>>) offsets(%dma_start3A_48 : memref<128xi32, #tpu.memory_space<vmem>>) semaphore(%arg17 : memref<!tpu.dma_semaphore, #tpu.memory_space<semaphore_mem>>)
    %dma_start3A_52 = arith.constant 1 : i32
    %dma_start3A_53 = arith.constant 128 : i32
    %dma_start3A_54 = arith.constant 0 : i32
    %dma_start3A_55 = tpu.memref_slice %arg14[%dma_start3A_53, %dma_start3A_54] : memref<512x32xf32, #tpu.memory_space<vmem>> -> memref<128x32xf32, #tpu.memory_space<vmem>>
    %dma_start3A_56 = arith.constant 0 : i32
    %dma_start3A_57 = tpu.memref_slice %arg11[%dma_start3A_52, %dma_start3A_56] : memref<4x128xi32, #tpu.memory_space<vmem>> -> memref<1x128xi32, #tpu.memory_space<vmem>>
    %dma_start3A_58 = tpu.memref_squeeze %dma_start3A_57 : memref<1x128xi32, #tpu.memory_space<vmem>> -> memref<128xi32, #tpu.memory_space<vmem>>
    %dma_start3A_59 = arith.constant 0 : i32
    %dma_start3A_60 = arith.constant 0 : i32
    %dma_start3A_61 = tpu.memref_slice %arg3[%dma_start3A_59, %dma_start3A_60] : memref<1000000x32xf32, #tpu.memory_space<hbm>> -> memref<1000000x32xf32, #tpu.memory_space<hbm>>
    tpu.enqueue_indirect_dma source(%dma_start3A_61 : memref<1000000x32xf32, #tpu.memory_space<hbm>>) target(%dma_start3A_55 : memref<128x32xf32, #tpu.memory_space<vmem>>) offsets(%dma_start3A_58 : memref<128xi32, #tpu.memory_space<vmem>>) semaphore(%arg17 : memref<!tpu.dma_semaphore, #tpu.memory_space<semaphore_mem>>)
    %dma_start3A_62 = arith.constant 2 : i32
    %dma_start3A_63 = arith.constant 256 : i32
    %dma_start3A_64 = arith.constant 0 : i32
    %dma_start3A_65 = tpu.memref_slice %arg12[%dma_start3A_63, %dma_start3A_64] : memref<512x32xf32, #tpu.memory_space<vmem>> -> memref<128x32xf32, #tpu.memory_space<vmem>>
    %dma_start3A_66 = arith.constant 0 : i32
    %dma_start3A_67 = tpu.memref_slice %arg9[%dma_start3A_62, %dma_start3A_66] : memref<4x128xi32, #tpu.memory_space<vmem>> -> memref<1x128xi32, #tpu.memory_space<vmem>>
    %dma_start3A_68 = tpu.memref_squeeze %dma_start3A_67 : memref<1x128xi32, #tpu.memory_space<vmem>> -> memref<128xi32, #tpu.memory_space<vmem>>
    %dma_start3A_69 = arith.constant 0 : i32
    %dma_start3A_70 = arith.constant 0 : i32
    %dma_start3A_71 = tpu.memref_slice %arg2[%dma_start3A_69, %dma_start3A_70] : memref<1000000x32xf32, #tpu.memory_space<hbm>> -> memref<1000000x32xf32, #tpu.memory_space<hbm>>
    tpu.enqueue_indirect_dma source(%dma_start3A_71 : memref<1000000x32xf32, #tpu.memory_space<hbm>>) target(%dma_start3A_65 : memref<128x32xf32, #tpu.memory_space<vmem>>) offsets(%dma_start3A_68 : memref<128xi32, #tpu.memory_space<vmem>>) semaphore(%arg17 : memref<!tpu.dma_semaphore, #tpu.memory_space<semaphore_mem>>)
    %dma_start3A_72 = arith.constant 2 : i32
    %dma_start3A_73 = arith.constant 256 : i32
    %dma_start3A_74 = arith.constant 0 : i32
    %dma_start3A_75 = tpu.memref_slice %arg13[%dma_start3A_73, %dma_start3A_74] : memref<512x32xf32, #tpu.memory_space<vmem>> -> memref<128x32xf32, #tpu.memory_space<vmem>>
    %dma_start3A_76 = arith.constant 0 : i32
    %dma_start3A_77 = tpu.memref_slice %arg10[%dma_start3A_72, %dma_start3A_76] : memref<4x128xi32, #tpu.memory_space<vmem>> -> memref<1x128xi32, #tpu.memory_space<vmem>>
    %dma_start3A_78 = tpu.memref_squeeze %dma_start3A_77 : memref<1x128xi32, #tpu.memory_space<vmem>> -> memref<128xi32, #tpu.memory_space<vmem>>
    %dma_start3A_79 = arith.constant 0 : i32
    %dma_start3A_80 = arith.constant 0 : i32
    %dma_start3A_81 = tpu.memref_slice %arg3[%dma_start3A_79, %dma_start3A_80] : memref<1000000x32xf32, #tpu.memory_space<hbm>> -> memref<1000000x32xf32, #tpu.memory_space<hbm>>
    tpu.enqueue_indirect_dma source(%dma_start3A_81 : memref<1000000x32xf32, #tpu.memory_space<hbm>>) target(%dma_start3A_75 : memref<128x32xf32, #tpu.memory_space<vmem>>) offsets(%dma_start3A_78 : memref<128xi32, #tpu.memory_space<vmem>>) semaphore(%arg17 : memref<!tpu.dma_semaphore, #tpu.memory_space<semaphore_mem>>)
    %dma_start3A_82 = arith.constant 2 : i32
    %dma_start3A_83 = arith.constant 256 : i32
    %dma_start3A_84 = arith.constant 0 : i32
    %dma_start3A_85 = tpu.memref_slice %arg14[%dma_start3A_83, %dma_start3A_84] : memref<512x32xf32, #tpu.memory_space<vmem>> -> memref<128x32xf32, #tpu.memory_space<vmem>>
    %dma_start3A_86 = arith.constant 0 : i32
    %dma_start3A_87 = tpu.memref_slice %arg11[%dma_start3A_82, %dma_start3A_86] : memref<4x128xi32, #tpu.memory_space<vmem>> -> memref<1x128xi32, #tpu.memory_space<vmem>>
    %dma_start3A_88 = tpu.memref_squeeze %dma_start3A_87 : memref<1x128xi32, #tpu.memory_space<vmem>> -> memref<128xi32, #tpu.memory_space<vmem>>
    %dma_start3A_89 = arith.constant 0 : i32
    %dma_start3A_90 = arith.constant 0 : i32
    %dma_start3A_91 = tpu.memref_slice %arg3[%dma_start3A_89, %dma_start3A_90] : memref<1000000x32xf32, #tpu.memory_space<hbm>> -> memref<1000000x32xf32, #tpu.memory_space<hbm>>
    tpu.enqueue_indirect_dma source(%dma_start3A_91 : memref<1000000x32xf32, #tpu.memory_space<hbm>>) target(%dma_start3A_85 : memref<128x32xf32, #tpu.memory_space<vmem>>) offsets(%dma_start3A_88 : memref<128xi32, #tpu.memory_space<vmem>>) semaphore(%arg17 : memref<!tpu.dma_semaphore, #tpu.memory_space<semaphore_mem>>)
    %dma_start3A_92 = arith.constant 3 : i32
    %dma_start3A_93 = arith.constant 384 : i32
    %dma_start3A_94 = arith.constant 0 : i32
    %dma_start3A_95 = tpu.memref_slice %arg12[%dma_start3A_93, %dma_start3A_94] : memref<512x32xf32, #tpu.memory_space<vmem>> -> memref<128x32xf32, #tpu.memory_space<vmem>>
    %dma_start3A_96 = arith.constant 0 : i32
    %dma_start3A_97 = tpu.memref_slice %arg9[%dma_start3A_92, %dma_start3A_96] : memref<4x128xi32, #tpu.memory_space<vmem>> -> memref<1x128xi32, #tpu.memory_space<vmem>>
    %dma_start3A_98 = tpu.memref_squeeze %dma_start3A_97 : memref<1x128xi32, #tpu.memory_space<vmem>> -> memref<128xi32, #tpu.memory_space<vmem>>
    %dma_start3A_99 = arith.constant 0 : i32
    %dma_start3A_100 = arith.constant 0 : i32
    %dma_start3A_101 = tpu.memref_slice %arg2[%dma_start3A_99, %dma_start3A_100] : memref<1000000x32xf32, #tpu.memory_space<hbm>> -> memref<1000000x32xf32, #tpu.memory_space<hbm>>
    tpu.enqueue_indirect_dma source(%dma_start3A_101 : memref<1000000x32xf32, #tpu.memory_space<hbm>>) target(%dma_start3A_95 : memref<128x32xf32, #tpu.memory_space<vmem>>) offsets(%dma_start3A_98 : memref<128xi32, #tpu.memory_space<vmem>>) semaphore(%arg17 : memref<!tpu.dma_semaphore, #tpu.memory_space<semaphore_mem>>)
    %dma_start3A_102 = arith.constant 3 : i32
    %dma_start3A_103 = arith.constant 384 : i32
    %dma_start3A_104 = arith.constant 0 : i32
    %dma_start3A_105 = tpu.memref_slice %arg13[%dma_start3A_103, %dma_start3A_104] : memref<512x32xf32, #tpu.memory_space<vmem>> -> memref<128x32xf32, #tpu.memory_space<vmem>>
    %dma_start3A_106 = arith.constant 0 : i32
    %dma_start3A_107 = tpu.memref_slice %arg10[%dma_start3A_102, %dma_start3A_106] : memref<4x128xi32, #tpu.memory_space<vmem>> -> memref<1x128xi32, #tpu.memory_space<vmem>>
    %dma_start3A_108 = tpu.memref_squeeze %dma_start3A_107 : memref<1x128xi32, #tpu.memory_space<vmem>> -> memref<128xi32, #tpu.memory_space<vmem>>
    %dma_start3A_109 = arith.constant 0 : i32
    %dma_start3A_110 = arith.constant 0 : i32
    %dma_start3A_111 = tpu.memref_slice %arg3[%dma_start3A_109, %dma_start3A_110] : memref<1000000x32xf32, #tpu.memory_space<hbm>> -> memref<1000000x32xf32, #tpu.memory_space<hbm>>
    tpu.enqueue_indirect_dma source(%dma_start3A_111 : memref<1000000x32xf32, #tpu.memory_space<hbm>>) target(%dma_start3A_105 : memref<128x32xf32, #tpu.memory_space<vmem>>) offsets(%dma_start3A_108 : memref<128xi32, #tpu.memory_space<vmem>>) semaphore(%arg17 : memref<!tpu.dma_semaphore, #tpu.memory_space<semaphore_mem>>)
    %dma_start3A_112 = arith.constant 3 : i32
    %dma_start3A_113 = arith.constant 384 : i32
    %dma_start3A_114 = arith.constant 0 : i32
    %dma_start3A_115 = tpu.memref_slice %arg14[%dma_start3A_113, %dma_start3A_114] : memref<512x32xf32, #tpu.memory_space<vmem>> -> memref<128x32xf32, #tpu.memory_space<vmem>>
    %dma_start3A_116 = arith.constant 0 : i32
    %dma_start3A_117 = tpu.memref_slice %arg11[%dma_start3A_112, %dma_start3A_116] : memref<4x128xi32, #tpu.memory_space<vmem>> -> memref<1x128xi32, #tpu.memory_space<vmem>>
    %dma_start3A_118 = tpu.memref_squeeze %dma_start3A_117 : memref<1x128xi32, #tpu.memory_space<vmem>> -> memref<128xi32, #tpu.memory_space<vmem>>
    %dma_start3A_119 = arith.constant 0 : i32
    %dma_start3A_120 = arith.constant 0 : i32
    %dma_start3A_121 = tpu.memref_slice %arg3[%dma_start3A_119, %dma_start3A_120] : memref<1000000x32xf32, #tpu.memory_space<hbm>> -> memref<1000000x32xf32, #tpu.memory_space<hbm>>
    tpu.enqueue_indirect_dma source(%dma_start3A_121 : memref<1000000x32xf32, #tpu.memory_space<hbm>>) target(%dma_start3A_115 : memref<128x32xf32, #tpu.memory_space<vmem>>) offsets(%dma_start3A_118 : memref<128xi32, #tpu.memory_space<vmem>>) semaphore(%arg17 : memref<!tpu.dma_semaphore, #tpu.memory_space<semaphore_mem>>)
    %dma_wait3A = arith.constant 0 : i32
    %dma_wait3A_122 = arith.constant 0 : i32
    %dma_wait3A_123 = arith.constant 0 : i32
    %dma_wait3A_124 = tpu.memref_slice %arg12[%dma_wait3A_122, %dma_wait3A_123] : memref<512x32xf32, #tpu.memory_space<vmem>> -> memref<128x32xf32, #tpu.memory_space<vmem>>
    %dma_wait3A_125 = arith.constant 0 : i32
    %dma_wait3A_126 = tpu.memref_slice %arg9[%dma_wait3A, %dma_wait3A_125] : memref<4x128xi32, #tpu.memory_space<vmem>> -> memref<1x128xi32, #tpu.memory_space<vmem>>
    %dma_wait3A_127 = tpu.memref_squeeze %dma_wait3A_126 : memref<1x128xi32, #tpu.memory_space<vmem>> -> memref<128xi32, #tpu.memory_space<vmem>>
    %dma_wait3A_128 = arith.constant 0 : i32
    %dma_wait3A_129 = arith.constant 0 : i32
    %dma_wait3A_130 = tpu.memref_slice %arg2[%dma_wait3A_128, %dma_wait3A_129] : memref<1000000x32xf32, #tpu.memory_space<hbm>> -> memref<1000000x32xf32, #tpu.memory_space<hbm>>
    tpu.wait_indirect_dma semaphore(%arg17 : memref<!tpu.dma_semaphore, #tpu.memory_space<semaphore_mem>>) src(%dma_wait3A_130 : memref<1000000x32xf32, #tpu.memory_space<hbm>>) dst(%dma_wait3A_124 : memref<128x32xf32, #tpu.memory_space<vmem>>)
    %dma_wait3A_131 = arith.constant 0 : i32
    %dma_wait3A_132 = arith.constant 0 : i32
    %dma_wait3A_133 = arith.constant 0 : i32
    %dma_wait3A_134 = tpu.memref_slice %arg13[%dma_wait3A_132, %dma_wait3A_133] : memref<512x32xf32, #tpu.memory_space<vmem>> -> memref<128x32xf32, #tpu.memory_space<vmem>>
    %dma_wait3A_135 = arith.constant 0 : i32
    %dma_wait3A_136 = tpu.memref_slice %arg10[%dma_wait3A_131, %dma_wait3A_135] : memref<4x128xi32, #tpu.memory_space<vmem>> -> memref<1x128xi32, #tpu.memory_space<vmem>>
    %dma_wait3A_137 = tpu.memref_squeeze %dma_wait3A_136 : memref<1x128xi32, #tpu.memory_space<vmem>> -> memref<128xi32, #tpu.memory_space<vmem>>
    %dma_wait3A_138 = arith.constant 0 : i32
    %dma_wait3A_139 = arith.constant 0 : i32
    %dma_wait3A_140 = tpu.memref_slice %arg3[%dma_wait3A_138, %dma_wait3A_139] : memref<1000000x32xf32, #tpu.memory_space<hbm>> -> memref<1000000x32xf32, #tpu.memory_space<hbm>>
    tpu.wait_indirect_dma semaphore(%arg17 : memref<!tpu.dma_semaphore, #tpu.memory_space<semaphore_mem>>) src(%dma_wait3A_140 : memref<1000000x32xf32, #tpu.memory_space<hbm>>) dst(%dma_wait3A_134 : memref<128x32xf32, #tpu.memory_space<vmem>>)
    %dma_wait3A_141 = arith.constant 0 : i32
    %dma_wait3A_142 = arith.constant 0 : i32
    %dma_wait3A_143 = arith.constant 0 : i32
    %dma_wait3A_144 = tpu.memref_slice %arg14[%dma_wait3A_142, %dma_wait3A_143] : memref<512x32xf32, #tpu.memory_space<vmem>> -> memref<128x32xf32, #tpu.memory_space<vmem>>
    %dma_wait3A_145 = arith.constant 0 : i32
    %dma_wait3A_146 = tpu.memref_slice %arg11[%dma_wait3A_141, %dma_wait3A_145] : memref<4x128xi32, #tpu.memory_space<vmem>> -> memref<1x128xi32, #tpu.memory_space<vmem>>
    %dma_wait3A_147 = tpu.memref_squeeze %dma_wait3A_146 : memref<1x128xi32, #tpu.memory_space<vmem>> -> memref<128xi32, #tpu.memory_space<vmem>>
    %dma_wait3A_148 = arith.constant 0 : i32
    %dma_wait3A_149 = arith.constant 0 : i32
    %dma_wait3A_150 = tpu.memref_slice %arg3[%dma_wait3A_148, %dma_wait3A_149] : memref<1000000x32xf32, #tpu.memory_space<hbm>> -> memref<1000000x32xf32, #tpu.memory_space<hbm>>
    tpu.wait_indirect_dma semaphore(%arg17 : memref<!tpu.dma_semaphore, #tpu.memory_space<semaphore_mem>>) src(%dma_wait3A_150 : memref<1000000x32xf32, #tpu.memory_space<hbm>>) dst(%dma_wait3A_144 : memref<128x32xf32, #tpu.memory_space<vmem>>)
    %dma_wait3A_151 = arith.constant 1 : i32
    %dma_wait3A_152 = arith.constant 128 : i32
    %dma_wait3A_153 = arith.constant 0 : i32
    %dma_wait3A_154 = tpu.memref_slice %arg12[%dma_wait3A_152, %dma_wait3A_153] : memref<512x32xf32, #tpu.memory_space<vmem>> -> memref<128x32xf32, #tpu.memory_space<vmem>>
    %dma_wait3A_155 = arith.constant 0 : i32
    %dma_wait3A_156 = tpu.memref_slice %arg9[%dma_wait3A_151, %dma_wait3A_155] : memref<4x128xi32, #tpu.memory_space<vmem>> -> memref<1x128xi32, #tpu.memory_space<vmem>>
    %dma_wait3A_157 = tpu.memref_squeeze %dma_wait3A_156 : memref<1x128xi32, #tpu.memory_space<vmem>> -> memref<128xi32, #tpu.memory_space<vmem>>
    %dma_wait3A_158 = arith.constant 0 : i32
    %dma_wait3A_159 = arith.constant 0 : i32
    %dma_wait3A_160 = tpu.memref_slice %arg2[%dma_wait3A_158, %dma_wait3A_159] : memref<1000000x32xf32, #tpu.memory_space<hbm>> -> memref<1000000x32xf32, #tpu.memory_space<hbm>>
    tpu.wait_indirect_dma semaphore(%arg17 : memref<!tpu.dma_semaphore, #tpu.memory_space<semaphore_mem>>) src(%dma_wait3A_160 : memref<1000000x32xf32, #tpu.memory_space<hbm>>) dst(%dma_wait3A_154 : memref<128x32xf32, #tpu.memory_space<vmem>>)
    %dma_wait3A_161 = arith.constant 1 : i32
    %dma_wait3A_162 = arith.constant 128 : i32
    %dma_wait3A_163 = arith.constant 0 : i32
    %dma_wait3A_164 = tpu.memref_slice %arg13[%dma_wait3A_162, %dma_wait3A_163] : memref<512x32xf32, #tpu.memory_space<vmem>> -> memref<128x32xf32, #tpu.memory_space<vmem>>
    %dma_wait3A_165 = arith.constant 0 : i32
    %dma_wait3A_166 = tpu.memref_slice %arg10[%dma_wait3A_161, %dma_wait3A_165] : memref<4x128xi32, #tpu.memory_space<vmem>> -> memref<1x128xi32, #tpu.memory_space<vmem>>
    %dma_wait3A_167 = tpu.memref_squeeze %dma_wait3A_166 : memref<1x128xi32, #tpu.memory_space<vmem>> -> memref<128xi32, #tpu.memory_space<vmem>>
    %dma_wait3A_168 = arith.constant 0 : i32
    %dma_wait3A_169 = arith.constant 0 : i32
    %dma_wait3A_170 = tpu.memref_slice %arg3[%dma_wait3A_168, %dma_wait3A_169] : memref<1000000x32xf32, #tpu.memory_space<hbm>> -> memref<1000000x32xf32, #tpu.memory_space<hbm>>
    tpu.wait_indirect_dma semaphore(%arg17 : memref<!tpu.dma_semaphore, #tpu.memory_space<semaphore_mem>>) src(%dma_wait3A_170 : memref<1000000x32xf32, #tpu.memory_space<hbm>>) dst(%dma_wait3A_164 : memref<128x32xf32, #tpu.memory_space<vmem>>)
    %dma_wait3A_171 = arith.constant 1 : i32
    %dma_wait3A_172 = arith.constant 128 : i32
    %dma_wait3A_173 = arith.constant 0 : i32
    %dma_wait3A_174 = tpu.memref_slice %arg14[%dma_wait3A_172, %dma_wait3A_173] : memref<512x32xf32, #tpu.memory_space<vmem>> -> memref<128x32xf32, #tpu.memory_space<vmem>>
    %dma_wait3A_175 = arith.constant 0 : i32
    %dma_wait3A_176 = tpu.memref_slice %arg11[%dma_wait3A_171, %dma_wait3A_175] : memref<4x128xi32, #tpu.memory_space<vmem>> -> memref<1x128xi32, #tpu.memory_space<vmem>>
    %dma_wait3A_177 = tpu.memref_squeeze %dma_wait3A_176 : memref<1x128xi32, #tpu.memory_space<vmem>> -> memref<128xi32, #tpu.memory_space<vmem>>
    %dma_wait3A_178 = arith.constant 0 : i32
    %dma_wait3A_179 = arith.constant 0 : i32
    %dma_wait3A_180 = tpu.memref_slice %arg3[%dma_wait3A_178, %dma_wait3A_179] : memref<1000000x32xf32, #tpu.memory_space<hbm>> -> memref<1000000x32xf32, #tpu.memory_space<hbm>>
    tpu.wait_indirect_dma semaphore(%arg17 : memref<!tpu.dma_semaphore, #tpu.memory_space<semaphore_mem>>) src(%dma_wait3A_180 : memref<1000000x32xf32, #tpu.memory_space<hbm>>) dst(%dma_wait3A_174 : memref<128x32xf32, #tpu.memory_space<vmem>>)
    %dma_wait3A_181 = arith.constant 2 : i32
    %dma_wait3A_182 = arith.constant 256 : i32
    %dma_wait3A_183 = arith.constant 0 : i32
    %dma_wait3A_184 = tpu.memref_slice %arg12[%dma_wait3A_182, %dma_wait3A_183] : memref<512x32xf32, #tpu.memory_space<vmem>> -> memref<128x32xf32, #tpu.memory_space<vmem>>
    %dma_wait3A_185 = arith.constant 0 : i32
    %dma_wait3A_186 = tpu.memref_slice %arg9[%dma_wait3A_181, %dma_wait3A_185] : memref<4x128xi32, #tpu.memory_space<vmem>> -> memref<1x128xi32, #tpu.memory_space<vmem>>
    %dma_wait3A_187 = tpu.memref_squeeze %dma_wait3A_186 : memref<1x128xi32, #tpu.memory_space<vmem>> -> memref<128xi32, #tpu.memory_space<vmem>>
    %dma_wait3A_188 = arith.constant 0 : i32
    %dma_wait3A_189 = arith.constant 0 : i32
    %dma_wait3A_190 = tpu.memref_slice %arg2[%dma_wait3A_188, %dma_wait3A_189] : memref<1000000x32xf32, #tpu.memory_space<hbm>> -> memref<1000000x32xf32, #tpu.memory_space<hbm>>
    tpu.wait_indirect_dma semaphore(%arg17 : memref<!tpu.dma_semaphore, #tpu.memory_space<semaphore_mem>>) src(%dma_wait3A_190 : memref<1000000x32xf32, #tpu.memory_space<hbm>>) dst(%dma_wait3A_184 : memref<128x32xf32, #tpu.memory_space<vmem>>)
    %dma_wait3A_191 = arith.constant 2 : i32
    %dma_wait3A_192 = arith.constant 256 : i32
    %dma_wait3A_193 = arith.constant 0 : i32
    %dma_wait3A_194 = tpu.memref_slice %arg13[%dma_wait3A_192, %dma_wait3A_193] : memref<512x32xf32, #tpu.memory_space<vmem>> -> memref<128x32xf32, #tpu.memory_space<vmem>>
    %dma_wait3A_195 = arith.constant 0 : i32
    %dma_wait3A_196 = tpu.memref_slice %arg10[%dma_wait3A_191, %dma_wait3A_195] : memref<4x128xi32, #tpu.memory_space<vmem>> -> memref<1x128xi32, #tpu.memory_space<vmem>>
    %dma_wait3A_197 = tpu.memref_squeeze %dma_wait3A_196 : memref<1x128xi32, #tpu.memory_space<vmem>> -> memref<128xi32, #tpu.memory_space<vmem>>
    %dma_wait3A_198 = arith.constant 0 : i32
    %dma_wait3A_199 = arith.constant 0 : i32
    %dma_wait3A_200 = tpu.memref_slice %arg3[%dma_wait3A_198, %dma_wait3A_199] : memref<1000000x32xf32, #tpu.memory_space<hbm>> -> memref<1000000x32xf32, #tpu.memory_space<hbm>>
    tpu.wait_indirect_dma semaphore(%arg17 : memref<!tpu.dma_semaphore, #tpu.memory_space<semaphore_mem>>) src(%dma_wait3A_200 : memref<1000000x32xf32, #tpu.memory_space<hbm>>) dst(%dma_wait3A_194 : memref<128x32xf32, #tpu.memory_space<vmem>>)
    %dma_wait3A_201 = arith.constant 2 : i32
    %dma_wait3A_202 = arith.constant 256 : i32
    %dma_wait3A_203 = arith.constant 0 : i32
    %dma_wait3A_204 = tpu.memref_slice %arg14[%dma_wait3A_202, %dma_wait3A_203] : memref<512x32xf32, #tpu.memory_space<vmem>> -> memref<128x32xf32, #tpu.memory_space<vmem>>
    %dma_wait3A_205 = arith.constant 0 : i32
    %dma_wait3A_206 = tpu.memref_slice %arg11[%dma_wait3A_201, %dma_wait3A_205] : memref<4x128xi32, #tpu.memory_space<vmem>> -> memref<1x128xi32, #tpu.memory_space<vmem>>
    %dma_wait3A_207 = tpu.memref_squeeze %dma_wait3A_206 : memref<1x128xi32, #tpu.memory_space<vmem>> -> memref<128xi32, #tpu.memory_space<vmem>>
    %dma_wait3A_208 = arith.constant 0 : i32
    %dma_wait3A_209 = arith.constant 0 : i32
    %dma_wait3A_210 = tpu.memref_slice %arg3[%dma_wait3A_208, %dma_wait3A_209] : memref<1000000x32xf32, #tpu.memory_space<hbm>> -> memref<1000000x32xf32, #tpu.memory_space<hbm>>
    tpu.wait_indirect_dma semaphore(%arg17 : memref<!tpu.dma_semaphore, #tpu.memory_space<semaphore_mem>>) src(%dma_wait3A_210 : memref<1000000x32xf32, #tpu.memory_space<hbm>>) dst(%dma_wait3A_204 : memref<128x32xf32, #tpu.memory_space<vmem>>)
    %dma_wait3A_211 = arith.constant 3 : i32
    %dma_wait3A_212 = arith.constant 384 : i32
    %dma_wait3A_213 = arith.constant 0 : i32
    %dma_wait3A_214 = tpu.memref_slice %arg12[%dma_wait3A_212, %dma_wait3A_213] : memref<512x32xf32, #tpu.memory_space<vmem>> -> memref<128x32xf32, #tpu.memory_space<vmem>>
    %dma_wait3A_215 = arith.constant 0 : i32
    %dma_wait3A_216 = tpu.memref_slice %arg9[%dma_wait3A_211, %dma_wait3A_215] : memref<4x128xi32, #tpu.memory_space<vmem>> -> memref<1x128xi32, #tpu.memory_space<vmem>>
    %dma_wait3A_217 = tpu.memref_squeeze %dma_wait3A_216 : memref<1x128xi32, #tpu.memory_space<vmem>> -> memref<128xi32, #tpu.memory_space<vmem>>
    %dma_wait3A_218 = arith.constant 0 : i32
    %dma_wait3A_219 = arith.constant 0 : i32
    %dma_wait3A_220 = tpu.memref_slice %arg2[%dma_wait3A_218, %dma_wait3A_219] : memref<1000000x32xf32, #tpu.memory_space<hbm>> -> memref<1000000x32xf32, #tpu.memory_space<hbm>>
    tpu.wait_indirect_dma semaphore(%arg17 : memref<!tpu.dma_semaphore, #tpu.memory_space<semaphore_mem>>) src(%dma_wait3A_220 : memref<1000000x32xf32, #tpu.memory_space<hbm>>) dst(%dma_wait3A_214 : memref<128x32xf32, #tpu.memory_space<vmem>>)
    %dma_wait3A_221 = arith.constant 3 : i32
    %dma_wait3A_222 = arith.constant 384 : i32
    %dma_wait3A_223 = arith.constant 0 : i32
    %dma_wait3A_224 = tpu.memref_slice %arg13[%dma_wait3A_222, %dma_wait3A_223] : memref<512x32xf32, #tpu.memory_space<vmem>> -> memref<128x32xf32, #tpu.memory_space<vmem>>
    %dma_wait3A_225 = arith.constant 0 : i32
    %dma_wait3A_226 = tpu.memref_slice %arg10[%dma_wait3A_221, %dma_wait3A_225] : memref<4x128xi32, #tpu.memory_space<vmem>> -> memref<1x128xi32, #tpu.memory_space<vmem>>
    %dma_wait3A_227 = tpu.memref_squeeze %dma_wait3A_226 : memref<1x128xi32, #tpu.memory_space<vmem>> -> memref<128xi32, #tpu.memory_space<vmem>>
    %dma_wait3A_228 = arith.constant 0 : i32
    %dma_wait3A_229 = arith.constant 0 : i32
    %dma_wait3A_230 = tpu.memref_slice %arg3[%dma_wait3A_228, %dma_wait3A_229] : memref<1000000x32xf32, #tpu.memory_space<hbm>> -> memref<1000000x32xf32, #tpu.memory_space<hbm>>
    tpu.wait_indirect_dma semaphore(%arg17 : memref<!tpu.dma_semaphore, #tpu.memory_space<semaphore_mem>>) src(%dma_wait3A_230 : memref<1000000x32xf32, #tpu.memory_space<hbm>>) dst(%dma_wait3A_224 : memref<128x32xf32, #tpu.memory_space<vmem>>)
    %dma_wait3A_231 = arith.constant 3 : i32
    %dma_wait3A_232 = arith.constant 384 : i32
    %dma_wait3A_233 = arith.constant 0 : i32
    %dma_wait3A_234 = tpu.memref_slice %arg14[%dma_wait3A_232, %dma_wait3A_233] : memref<512x32xf32, #tpu.memory_space<vmem>> -> memref<128x32xf32, #tpu.memory_space<vmem>>
    %dma_wait3A_235 = arith.constant 0 : i32
    %dma_wait3A_236 = tpu.memref_slice %arg11[%dma_wait3A_231, %dma_wait3A_235] : memref<4x128xi32, #tpu.memory_space<vmem>> -> memref<1x128xi32, #tpu.memory_space<vmem>>
    %dma_wait3A_237 = tpu.memref_squeeze %dma_wait3A_236 : memref<1x128xi32, #tpu.memory_space<vmem>> -> memref<128xi32, #tpu.memory_space<vmem>>
    %dma_wait3A_238 = arith.constant 0 : i32
    %dma_wait3A_239 = arith.constant 0 : i32
    %dma_wait3A_240 = tpu.memref_slice %arg3[%dma_wait3A_238, %dma_wait3A_239] : memref<1000000x32xf32, #tpu.memory_space<hbm>> -> memref<1000000x32xf32, #tpu.memory_space<hbm>>
    tpu.wait_indirect_dma semaphore(%arg17 : memref<!tpu.dma_semaphore, #tpu.memory_space<semaphore_mem>>) src(%dma_wait3A_240 : memref<1000000x32xf32, #tpu.memory_space<hbm>>) dst(%dma_wait3A_234 : memref<128x32xf32, #tpu.memory_space<vmem>>)
    %iota3A = tpu.iota {dimensions = array<i32: 0>} : vector<16xi32>
    %scan3A = arith.constant 0 : i32
    %scan3A_241 = arith.constant 0 : i32
    %scan3A_242 = arith.constant 32 : i32
    %scan3A_243 = arith.addi %scan3A_241, %scan3A_242 : i32
    %scan3A_244 = arith.constant 1 : i32
    scf.for %scan3A_246 = %scan3A_241 to %scan3A_243 step %scan3A_244  : i32 {
      %mul3A_247 = arith.constant 16 : i32
      %mul3A_248 = arith.muli %scan3A_246, %mul3A_247 : i32
      %add3A_249 = vector.broadcast %mul3A_248 : i32 to vector<16xi32>
      %add3A_250 = arith.addi %add3A_249, %iota3A : vector<16xi32>
      %broadcast_in_dim3A = arith.constant 0.000000e+00 : f32
      %broadcast_in_dim3A_251 = vector.broadcast %broadcast_in_dim3A : f32 to vector<16xf32>
      %broadcast_in_dim3A_252 = arith.constant 0.000000e+00 : f32
      %broadcast_in_dim3A_253 = vector.broadcast %broadcast_in_dim3A_252 : f32 to vector<16xf32>
      %broadcast_in_dim3A_254 = arith.constant 0 : i32
      %broadcast_in_dim3A_255 = vector.broadcast %broadcast_in_dim3A_254 : i32 to vector<16xi32>
      %gather3A = tpu.vector_load_idx %arg12[%add3A_250, %broadcast_in_dim3A_255] : memref<512x32xf32, #tpu.memory_space<vmem>>[vector<16xi32>, vector<16xi32>], vector<16xf32>,
      %gather3A_256 = tpu.vector_load_idx %arg13[%add3A_250, %broadcast_in_dim3A_255] : memref<512x32xf32, #tpu.memory_space<vmem>>[vector<16xi32>, vector<16xi32>], vector<16xf32>,
      %gather3A_257 = tpu.vector_load_idx %arg14[%add3A_250, %broadcast_in_dim3A_255] : memref<512x32xf32, #tpu.memory_space<vmem>>[vector<16xi32>, vector<16xi32>], vector<16xf32>,
      %mul3A_258 = arith.mulf %gather3A, %gather3A_256 : vector<16xf32>
      %add3A_259 = arith.addf %broadcast_in_dim3A_251, %mul3A_258 : vector<16xf32>
      %mul3A_260 = arith.mulf %gather3A, %gather3A_257 : vector<16xf32>
      %add3A_261 = arith.addf %broadcast_in_dim3A_253, %mul3A_260 : vector<16xf32>
      %broadcast_in_dim3A_262 = arith.constant 1 : i32
      %broadcast_in_dim3A_263 = vector.broadcast %broadcast_in_dim3A_262 : i32 to vector<16xi32>
      %gather3A_264 = tpu.vector_load_idx %arg12[%add3A_250, %broadcast_in_dim3A_263] : memref<512x32xf32, #tpu.memory_space<vmem>>[vector<16xi32>, vector<16xi32>], vector<16xf32>,
      %gather3A_265 = tpu.vector_load_idx %arg13[%add3A_250, %broadcast_in_dim3A_263] : memref<512x32xf32, #tpu.memory_space<vmem>>[vector<16xi32>, vector<16xi32>], vector<16xf32>,
      %gather3A_266 = tpu.vector_load_idx %arg14[%add3A_250, %broadcast_in_dim3A_263] : memref<512x32xf32, #tpu.memory_space<vmem>>[vector<16xi32>, vector<16xi32>], vector<16xf32>,
      %mul3A_267 = arith.mulf %gather3A_264, %gather3A_265 : vector<16xf32>
      %add3A_268 = arith.addf %add3A_259, %mul3A_267 : vector<16xf32>
      %mul3A_269 = arith.mulf %gather3A_264, %gather3A_266 : vector<16xf32>
      %add3A_270 = arith.addf %add3A_261, %mul3A_269 : vector<16xf32>
      %broadcast_in_dim3A_271 = arith.constant 2 : i32
      %broadcast_in_dim3A_272 = vector.broadcast %broadcast_in_dim3A_271 : i32 to vector<16xi32>
      %gather3A_273 = tpu.vector_load_idx %arg12[%add3A_250, %broadcast_in_dim3A_272] : memref<512x32xf32, #tpu.memory_space<vmem>>[vector<16xi32>, vector<16xi32>], vector<16xf32>,
      %gather3A_274 = tpu.vector_load_idx %arg13[%add3A_250, %broadcast_in_dim3A_272] : memref<512x32xf32, #tpu.memory_space<vmem>>[vector<16xi32>, vector<16xi32>], vector<16xf32>,
      %gather3A_275 = tpu.vector_load_idx %arg14[%add3A_250, %broadcast_in_dim3A_272] : memref<512x32xf32, #tpu.memory_space<vmem>>[vector<16xi32>, vector<16xi32>], vector<16xf32>,
      %mul3A_276 = arith.mulf %gather3A_273, %gather3A_274 : vector<16xf32>
      %add3A_277 = arith.addf %add3A_268, %mul3A_276 : vector<16xf32>
      %mul3A_278 = arith.mulf %gather3A_273, %gather3A_275 : vector<16xf32>
      %add3A_279 = arith.addf %add3A_270, %mul3A_278 : vector<16xf32>
      %broadcast_in_dim3A_280 = arith.constant 3 : i32
      %broadcast_in_dim3A_281 = vector.broadcast %broadcast_in_dim3A_280 : i32 to vector<16xi32>
      %gather3A_282 = tpu.vector_load_idx %arg12[%add3A_250, %broadcast_in_dim3A_281] : memref<512x32xf32, #tpu.memory_space<vmem>>[vector<16xi32>, vector<16xi32>], vector<16xf32>,
      %gather3A_283 = tpu.vector_load_idx %arg13[%add3A_250, %broadcast_in_dim3A_281] : memref<512x32xf32, #tpu.memory_space<vmem>>[vector<16xi32>, vector<16xi32>], vector<16xf32>,
      %gather3A_284 = tpu.vector_load_idx %arg14[%add3A_250, %broadcast_in_dim3A_281] : memref<512x32xf32, #tpu.memory_space<vmem>>[vector<16xi32>, vector<16xi32>], vector<16xf32>,
      %mul3A_285 = arith.mulf %gather3A_282, %gather3A_283 : vector<16xf32>
      %add3A_286 = arith.addf %add3A_277, %mul3A_285 : vector<16xf32>
      %mul3A_287 = arith.mulf %gather3A_282, %gather3A_284 : vector<16xf32>
      %add3A_288 = arith.addf %add3A_279, %mul3A_287 : vector<16xf32>
      %broadcast_in_dim3A_289 = arith.constant 4 : i32
      %broadcast_in_dim3A_290 = vector.broadcast %broadcast_in_dim3A_289 : i32 to vector<16xi32>
      %gather3A_291 = tpu.vector_load_idx %arg12[%add3A_250, %broadcast_in_dim3A_290] : memref<512x32xf32, #tpu.memory_space<vmem>>[vector<16xi32>, vector<16xi32>], vector<16xf32>,
      %gather3A_292 = tpu.vector_load_idx %arg13[%add3A_250, %broadcast_in_dim3A_290] : memref<512x32xf32, #tpu.memory_space<vmem>>[vector<16xi32>, vector<16xi32>], vector<16xf32>,
      %gather3A_293 = tpu.vector_load_idx %arg14[%add3A_250, %broadcast_in_dim3A_290] : memref<512x32xf32, #tpu.memory_space<vmem>>[vector<16xi32>, vector<16xi32>], vector<16xf32>,
      %mul3A_294 = arith.mulf %gather3A_291, %gather3A_292 : vector<16xf32>
      %add3A_295 = arith.addf %add3A_286, %mul3A_294 : vector<16xf32>
      %mul3A_296 = arith.mulf %gather3A_291, %gather3A_293 : vector<16xf32>
      %add3A_297 = arith.addf %add3A_288, %mul3A_296 : vector<16xf32>
      %broadcast_in_dim3A_298 = arith.constant 5 : i32
      %broadcast_in_dim3A_299 = vector.broadcast %broadcast_in_dim3A_298 : i32 to vector<16xi32>
      %gather3A_300 = tpu.vector_load_idx %arg12[%add3A_250, %broadcast_in_dim3A_299] : memref<512x32xf32, #tpu.memory_space<vmem>>[vector<16xi32>, vector<16xi32>], vector<16xf32>,
      %gather3A_301 = tpu.vector_load_idx %arg13[%add3A_250, %broadcast_in_dim3A_299] : memref<512x32xf32, #tpu.memory_space<vmem>>[vector<16xi32>, vector<16xi32>], vector<16xf32>,
      %gather3A_302 = tpu.vector_load_idx %arg14[%add3A_250, %broadcast_in_dim3A_299] : memref<512x32xf32, #tpu.memory_space<vmem>>[vector<16xi32>, vector<16xi32>], vector<16xf32>,
      %mul3A_303 = arith.mulf %gather3A_300, %gather3A_301 : vector<16xf32>
      %add3A_304 = arith.addf %add3A_295, %mul3A_303 : vector<16xf32>
      %mul3A_305 = arith.mulf %gather3A_300, %gather3A_302 : vector<16xf32>
      %add3A_306 = arith.addf %add3A_297, %mul3A_305 : vector<16xf32>
      %broadcast_in_dim3A_307 = arith.constant 6 : i32
      %broadcast_in_dim3A_308 = vector.broadcast %broadcast_in_dim3A_307 : i32 to vector<16xi32>
      %gather3A_309 = tpu.vector_load_idx %arg12[%add3A_250, %broadcast_in_dim3A_308] : memref<512x32xf32, #tpu.memory_space<vmem>>[vector<16xi32>, vector<16xi32>], vector<16xf32>,
      %gather3A_310 = tpu.vector_load_idx %arg13[%add3A_250, %broadcast_in_dim3A_308] : memref<512x32xf32, #tpu.memory_space<vmem>>[vector<16xi32>, vector<16xi32>], vector<16xf32>,
      %gather3A_311 = tpu.vector_load_idx %arg14[%add3A_250, %broadcast_in_dim3A_308] : memref<512x32xf32, #tpu.memory_space<vmem>>[vector<16xi32>, vector<16xi32>], vector<16xf32>,
      %mul3A_312 = arith.mulf %gather3A_309, %gather3A_310 : vector<16xf32>
      %add3A_313 = arith.addf %add3A_304, %mul3A_312 : vector<16xf32>
      %mul3A_314 = arith.mulf %gather3A_309, %gather3A_311 : vector<16xf32>
      %add3A_315 = arith.addf %add3A_306, %mul3A_314 : vector<16xf32>
      %broadcast_in_dim3A_316 = arith.constant 7 : i32
      %broadcast_in_dim3A_317 = vector.broadcast %broadcast_in_dim3A_316 : i32 to vector<16xi32>
      %gather3A_318 = tpu.vector_load_idx %arg12[%add3A_250, %broadcast_in_dim3A_317] : memref<512x32xf32, #tpu.memory_space<vmem>>[vector<16xi32>, vector<16xi32>], vector<16xf32>,
      %gather3A_319 = tpu.vector_load_idx %arg13[%add3A_250, %broadcast_in_dim3A_317] : memref<512x32xf32, #tpu.memory_space<vmem>>[vector<16xi32>, vector<16xi32>], vector<16xf32>,
      %gather3A_320 = tpu.vector_load_idx %arg14[%add3A_250, %broadcast_in_dim3A_317] : memref<512x32xf32, #tpu.memory_space<vmem>>[vector<16xi32>, vector<16xi32>], vector<16xf32>,
      %mul3A_321 = arith.mulf %gather3A_318, %gather3A_319 : vector<16xf32>
      %add3A_322 = arith.addf %add3A_313, %mul3A_321 : vector<16xf32>
      %mul3A_323 = arith.mulf %gather3A_318, %gather3A_320 : vector<16xf32>
      %add3A_324 = arith.addf %add3A_315, %mul3A_323 : vector<16xf32>
      %broadcast_in_dim3A_325 = arith.constant 8 : i32
      %broadcast_in_dim3A_326 = vector.broadcast %broadcast_in_dim3A_325 : i32 to vector<16xi32>
      %gather3A_327 = tpu.vector_load_idx %arg12[%add3A_250, %broadcast_in_dim3A_326] : memref<512x32xf32, #tpu.memory_space<vmem>>[vector<16xi32>, vector<16xi32>], vector<16xf32>,
      %gather3A_328 = tpu.vector_load_idx %arg13[%add3A_250, %broadcast_in_dim3A_326] : memref<512x32xf32, #tpu.memory_space<vmem>>[vector<16xi32>, vector<16xi32>], vector<16xf32>,
      %gather3A_329 = tpu.vector_load_idx %arg14[%add3A_250, %broadcast_in_dim3A_326] : memref<512x32xf32, #tpu.memory_space<vmem>>[vector<16xi32>, vector<16xi32>], vector<16xf32>,
      %mul3A_330 = arith.mulf %gather3A_327, %gather3A_328 : vector<16xf32>
      %add3A_331 = arith.addf %add3A_322, %mul3A_330 : vector<16xf32>
      %mul3A_332 = arith.mulf %gather3A_327, %gather3A_329 : vector<16xf32>
      %add3A_333 = arith.addf %add3A_324, %mul3A_332 : vector<16xf32>
      %broadcast_in_dim3A_334 = arith.constant 9 : i32
      %broadcast_in_dim3A_335 = vector.broadcast %broadcast_in_dim3A_334 : i32 to vector<16xi32>
      %gather3A_336 = tpu.vector_load_idx %arg12[%add3A_250, %broadcast_in_dim3A_335] : memref<512x32xf32, #tpu.memory_space<vmem>>[vector<16xi32>, vector<16xi32>], vector<16xf32>,
      %gather3A_337 = tpu.vector_load_idx %arg13[%add3A_250, %broadcast_in_dim3A_335] : memref<512x32xf32, #tpu.memory_space<vmem>>[vector<16xi32>, vector<16xi32>], vector<16xf32>,
      %gather3A_338 = tpu.vector_load_idx %arg14[%add3A_250, %broadcast_in_dim3A_335] : memref<512x32xf32, #tpu.memory_space<vmem>>[vector<16xi32>, vector<16xi32>], vector<16xf32>,
      %mul3A_339 = arith.mulf %gather3A_336, %gather3A_337 : vector<16xf32>
      %add3A_340 = arith.addf %add3A_331, %mul3A_339 : vector<16xf32>
      %mul3A_341 = arith.mulf %gather3A_336, %gather3A_338 : vector<16xf32>
      %add3A_342 = arith.addf %add3A_333, %mul3A_341 : vector<16xf32>
      %broadcast_in_dim3A_343 = arith.constant 10 : i32
      %broadcast_in_dim3A_344 = vector.broadcast %broadcast_in_dim3A_343 : i32 to vector<16xi32>
      %gather3A_345 = tpu.vector_load_idx %arg12[%add3A_250, %broadcast_in_dim3A_344] : memref<512x32xf32, #tpu.memory_space<vmem>>[vector<16xi32>, vector<16xi32>], vector<16xf32>,
      %gather3A_346 = tpu.vector_load_idx %arg13[%add3A_250, %broadcast_in_dim3A_344] : memref<512x32xf32, #tpu.memory_space<vmem>>[vector<16xi32>, vector<16xi32>], vector<16xf32>,
      %gather3A_347 = tpu.vector_load_idx %arg14[%add3A_250, %broadcast_in_dim3A_344] : memref<512x32xf32, #tpu.memory_space<vmem>>[vector<16xi32>, vector<16xi32>], vector<16xf32>,
      %mul3A_348 = arith.mulf %gather3A_345, %gather3A_346 : vector<16xf32>
      %add3A_349 = arith.addf %add3A_340, %mul3A_348 : vector<16xf32>
      %mul3A_350 = arith.mulf %gather3A_345, %gather3A_347 : vector<16xf32>
      %add3A_351 = arith.addf %add3A_342, %mul3A_350 : vector<16xf32>
      %broadcast_in_dim3A_352 = arith.constant 11 : i32
      %broadcast_in_dim3A_353 = vector.broadcast %broadcast_in_dim3A_352 : i32 to vector<16xi32>
      %gather3A_354 = tpu.vector_load_idx %arg12[%add3A_250, %broadcast_in_dim3A_353] : memref<512x32xf32, #tpu.memory_space<vmem>>[vector<16xi32>, vector<16xi32>], vector<16xf32>,
      %gather3A_355 = tpu.vector_load_idx %arg13[%add3A_250, %broadcast_in_dim3A_353] : memref<512x32xf32, #tpu.memory_space<vmem>>[vector<16xi32>, vector<16xi32>], vector<16xf32>,
      %gather3A_356 = tpu.vector_load_idx %arg14[%add3A_250, %broadcast_in_dim3A_353] : memref<512x32xf32, #tpu.memory_space<vmem>>[vector<16xi32>, vector<16xi32>], vector<16xf32>,
      %mul3A_357 = arith.mulf %gather3A_354, %gather3A_355 : vector<16xf32>
      %add3A_358 = arith.addf %add3A_349, %mul3A_357 : vector<16xf32>
      %mul3A_359 = arith.mulf %gather3A_354, %gather3A_356 : vector<16xf32>
      %add3A_360 = arith.addf %add3A_351, %mul3A_359 : vector<16xf32>
      %broadcast_in_dim3A_361 = arith.constant 12 : i32
      %broadcast_in_dim3A_362 = vector.broadcast %broadcast_in_dim3A_361 : i32 to vector<16xi32>
      %gather3A_363 = tpu.vector_load_idx %arg12[%add3A_250, %broadcast_in_dim3A_362] : memref<512x32xf32, #tpu.memory_space<vmem>>[vector<16xi32>, vector<16xi32>], vector<16xf32>,
      %gather3A_364 = tpu.vector_load_idx %arg13[%add3A_250, %broadcast_in_dim3A_362] : memref<512x32xf32, #tpu.memory_space<vmem>>[vector<16xi32>, vector<16xi32>], vector<16xf32>,
      %gather3A_365 = tpu.vector_load_idx %arg14[%add3A_250, %broadcast_in_dim3A_362] : memref<512x32xf32, #tpu.memory_space<vmem>>[vector<16xi32>, vector<16xi32>], vector<16xf32>,
      %mul3A_366 = arith.mulf %gather3A_363, %gather3A_364 : vector<16xf32>
      %add3A_367 = arith.addf %add3A_358, %mul3A_366 : vector<16xf32>
      %mul3A_368 = arith.mulf %gather3A_363, %gather3A_365 : vector<16xf32>
      %add3A_369 = arith.addf %add3A_360, %mul3A_368 : vector<16xf32>
      %broadcast_in_dim3A_370 = arith.constant 13 : i32
      %broadcast_in_dim3A_371 = vector.broadcast %broadcast_in_dim3A_370 : i32 to vector<16xi32>
      %gather3A_372 = tpu.vector_load_idx %arg12[%add3A_250, %broadcast_in_dim3A_371] : memref<512x32xf32, #tpu.memory_space<vmem>>[vector<16xi32>, vector<16xi32>], vector<16xf32>,
      %gather3A_373 = tpu.vector_load_idx %arg13[%add3A_250, %broadcast_in_dim3A_371] : memref<512x32xf32, #tpu.memory_space<vmem>>[vector<16xi32>, vector<16xi32>], vector<16xf32>,
      %gather3A_374 = tpu.vector_load_idx %arg14[%add3A_250, %broadcast_in_dim3A_371] : memref<512x32xf32, #tpu.memory_space<vmem>>[vector<16xi32>, vector<16xi32>], vector<16xf32>,
      %mul3A_375 = arith.mulf %gather3A_372, %gather3A_373 : vector<16xf32>
      %add3A_376 = arith.addf %add3A_367, %mul3A_375 : vector<16xf32>
      %mul3A_377 = arith.mulf %gather3A_372, %gather3A_374 : vector<16xf32>
      %add3A_378 = arith.addf %add3A_369, %mul3A_377 : vector<16xf32>
      %broadcast_in_dim3A_379 = arith.constant 14 : i32
      %broadcast_in_dim3A_380 = vector.broadcast %broadcast_in_dim3A_379 : i32 to vector<16xi32>
      %gather3A_381 = tpu.vector_load_idx %arg12[%add3A_250, %broadcast_in_dim3A_380] : memref<512x32xf32, #tpu.memory_space<vmem>>[vector<16xi32>, vector<16xi32>], vector<16xf32>,
      %gather3A_382 = tpu.vector_load_idx %arg13[%add3A_250, %broadcast_in_dim3A_380] : memref<512x32xf32, #tpu.memory_space<vmem>>[vector<16xi32>, vector<16xi32>], vector<16xf32>,
      %gather3A_383 = tpu.vector_load_idx %arg14[%add3A_250, %broadcast_in_dim3A_380] : memref<512x32xf32, #tpu.memory_space<vmem>>[vector<16xi32>, vector<16xi32>], vector<16xf32>,
      %mul3A_384 = arith.mulf %gather3A_381, %gather3A_382 : vector<16xf32>
      %add3A_385 = arith.addf %add3A_376, %mul3A_384 : vector<16xf32>
      %mul3A_386 = arith.mulf %gather3A_381, %gather3A_383 : vector<16xf32>
      %add3A_387 = arith.addf %add3A_378, %mul3A_386 : vector<16xf32>
      %broadcast_in_dim3A_388 = arith.constant 15 : i32
      %broadcast_in_dim3A_389 = vector.broadcast %broadcast_in_dim3A_388 : i32 to vector<16xi32>
      %gather3A_390 = tpu.vector_load_idx %arg12[%add3A_250, %broadcast_in_dim3A_389] : memref<512x32xf32, #tpu.memory_space<vmem>>[vector<16xi32>, vector<16xi32>], vector<16xf32>,
      %gather3A_391 = tpu.vector_load_idx %arg13[%add3A_250, %broadcast_in_dim3A_389] : memref<512x32xf32, #tpu.memory_space<vmem>>[vector<16xi32>, vector<16xi32>], vector<16xf32>,
      %gather3A_392 = tpu.vector_load_idx %arg14[%add3A_250, %broadcast_in_dim3A_389] : memref<512x32xf32, #tpu.memory_space<vmem>>[vector<16xi32>, vector<16xi32>], vector<16xf32>,
      %mul3A_393 = arith.mulf %gather3A_390, %gather3A_391 : vector<16xf32>
      %add3A_394 = arith.addf %add3A_385, %mul3A_393 : vector<16xf32>
      %mul3A_395 = arith.mulf %gather3A_390, %gather3A_392 : vector<16xf32>
      %add3A_396 = arith.addf %add3A_387, %mul3A_395 : vector<16xf32>
      %broadcast_in_dim3A_397 = arith.constant 16 : i32
      %broadcast_in_dim3A_398 = vector.broadcast %broadcast_in_dim3A_397 : i32 to vector<16xi32>
      %gather3A_399 = tpu.vector_load_idx %arg12[%add3A_250, %broadcast_in_dim3A_398] : memref<512x32xf32, #tpu.memory_space<vmem>>[vector<16xi32>, vector<16xi32>], vector<16xf32>,
      %gather3A_400 = tpu.vector_load_idx %arg13[%add3A_250, %broadcast_in_dim3A_398] : memref<512x32xf32, #tpu.memory_space<vmem>>[vector<16xi32>, vector<16xi32>], vector<16xf32>,
      %gather3A_401 = tpu.vector_load_idx %arg14[%add3A_250, %broadcast_in_dim3A_398] : memref<512x32xf32, #tpu.memory_space<vmem>>[vector<16xi32>, vector<16xi32>], vector<16xf32>,
      %mul3A_402 = arith.mulf %gather3A_399, %gather3A_400 : vector<16xf32>
      %add3A_403 = arith.addf %add3A_394, %mul3A_402 : vector<16xf32>
      %mul3A_404 = arith.mulf %gather3A_399, %gather3A_401 : vector<16xf32>
      %add3A_405 = arith.addf %add3A_396, %mul3A_404 : vector<16xf32>
      %broadcast_in_dim3A_406 = arith.constant 17 : i32
      %broadcast_in_dim3A_407 = vector.broadcast %broadcast_in_dim3A_406 : i32 to vector<16xi32>
      %gather3A_408 = tpu.vector_load_idx %arg12[%add3A_250, %broadcast_in_dim3A_407] : memref<512x32xf32, #tpu.memory_space<vmem>>[vector<16xi32>, vector<16xi32>], vector<16xf32>,
      %gather3A_409 = tpu.vector_load_idx %arg13[%add3A_250, %broadcast_in_dim3A_407] : memref<512x32xf32, #tpu.memory_space<vmem>>[vector<16xi32>, vector<16xi32>], vector<16xf32>,
      %gather3A_410 = tpu.vector_load_idx %arg14[%add3A_250, %broadcast_in_dim3A_407] : memref<512x32xf32, #tpu.memory_space<vmem>>[vector<16xi32>, vector<16xi32>], vector<16xf32>,
      %mul3A_411 = arith.mulf %gather3A_408, %gather3A_409 : vector<16xf32>
      %add3A_412 = arith.addf %add3A_403, %mul3A_411 : vector<16xf32>
      %mul3A_413 = arith.mulf %gather3A_408, %gather3A_410 : vector<16xf32>
      %add3A_414 = arith.addf %add3A_405, %mul3A_413 : vector<16xf32>
      %broadcast_in_dim3A_415 = arith.constant 18 : i32
      %broadcast_in_dim3A_416 = vector.broadcast %broadcast_in_dim3A_415 : i32 to vector<16xi32>
      %gather3A_417 = tpu.vector_load_idx %arg12[%add3A_250, %broadcast_in_dim3A_416] : memref<512x32xf32, #tpu.memory_space<vmem>>[vector<16xi32>, vector<16xi32>], vector<16xf32>,
      %gather3A_418 = tpu.vector_load_idx %arg13[%add3A_250, %broadcast_in_dim3A_416] : memref<512x32xf32, #tpu.memory_space<vmem>>[vector<16xi32>, vector<16xi32>], vector<16xf32>,
      %gather3A_419 = tpu.vector_load_idx %arg14[%add3A_250, %broadcast_in_dim3A_416] : memref<512x32xf32, #tpu.memory_space<vmem>>[vector<16xi32>, vector<16xi32>], vector<16xf32>,
      %mul3A_420 = arith.mulf %gather3A_417, %gather3A_418 : vector<16xf32>
      %add3A_421 = arith.addf %add3A_412, %mul3A_420 : vector<16xf32>
      %mul3A_422 = arith.mulf %gather3A_417, %gather3A_419 : vector<16xf32>
      %add3A_423 = arith.addf %add3A_414, %mul3A_422 : vector<16xf32>
      %broadcast_in_dim3A_424 = arith.constant 19 : i32
      %broadcast_in_dim3A_425 = vector.broadcast %broadcast_in_dim3A_424 : i32 to vector<16xi32>
      %gather3A_426 = tpu.vector_load_idx %arg12[%add3A_250, %broadcast_in_dim3A_425] : memref<512x32xf32, #tpu.memory_space<vmem>>[vector<16xi32>, vector<16xi32>], vector<16xf32>,
      %gather3A_427 = tpu.vector_load_idx %arg13[%add3A_250, %broadcast_in_dim3A_425] : memref<512x32xf32, #tpu.memory_space<vmem>>[vector<16xi32>, vector<16xi32>], vector<16xf32>,
      %gather3A_428 = tpu.vector_load_idx %arg14[%add3A_250, %broadcast_in_dim3A_425] : memref<512x32xf32, #tpu.memory_space<vmem>>[vector<16xi32>, vector<16xi32>], vector<16xf32>,
      %mul3A_429 = arith.mulf %gather3A_426, %gather3A_427 : vector<16xf32>
      %add3A_430 = arith.addf %add3A_421, %mul3A_429 : vector<16xf32>
      %mul3A_431 = arith.mulf %gather3A_426, %gather3A_428 : vector<16xf32>
      %add3A_432 = arith.addf %add3A_423, %mul3A_431 : vector<16xf32>
      %broadcast_in_dim3A_433 = arith.constant 20 : i32
      %broadcast_in_dim3A_434 = vector.broadcast %broadcast_in_dim3A_433 : i32 to vector<16xi32>
      %gather3A_435 = tpu.vector_load_idx %arg12[%add3A_250, %broadcast_in_dim3A_434] : memref<512x32xf32, #tpu.memory_space<vmem>>[vector<16xi32>, vector<16xi32>], vector<16xf32>,
      %gather3A_436 = tpu.vector_load_idx %arg13[%add3A_250, %broadcast_in_dim3A_434] : memref<512x32xf32, #tpu.memory_space<vmem>>[vector<16xi32>, vector<16xi32>], vector<16xf32>,
      %gather3A_437 = tpu.vector_load_idx %arg14[%add3A_250, %broadcast_in_dim3A_434] : memref<512x32xf32, #tpu.memory_space<vmem>>[vector<16xi32>, vector<16xi32>], vector<16xf32>,
      %mul3A_438 = arith.mulf %gather3A_435, %gather3A_436 : vector<16xf32>
      %add3A_439 = arith.addf %add3A_430, %mul3A_438 : vector<16xf32>
      %mul3A_440 = arith.mulf %gather3A_435, %gather3A_437 : vector<16xf32>
      %add3A_441 = arith.addf %add3A_432, %mul3A_440 : vector<16xf32>
      %broadcast_in_dim3A_442 = arith.constant 21 : i32
      %broadcast_in_dim3A_443 = vector.broadcast %broadcast_in_dim3A_442 : i32 to vector<16xi32>
      %gather3A_444 = tpu.vector_load_idx %arg12[%add3A_250, %broadcast_in_dim3A_443] : memref<512x32xf32, #tpu.memory_space<vmem>>[vector<16xi32>, vector<16xi32>], vector<16xf32>,
      %gather3A_445 = tpu.vector_load_idx %arg13[%add3A_250, %broadcast_in_dim3A_443] : memref<512x32xf32, #tpu.memory_space<vmem>>[vector<16xi32>, vector<16xi32>], vector<16xf32>,
      %gather3A_446 = tpu.vector_load_idx %arg14[%add3A_250, %broadcast_in_dim3A_443] : memref<512x32xf32, #tpu.memory_space<vmem>>[vector<16xi32>, vector<16xi32>], vector<16xf32>,
      %mul3A_447 = arith.mulf %gather3A_444, %gather3A_445 : vector<16xf32>
      %add3A_448 = arith.addf %add3A_439, %mul3A_447 : vector<16xf32>
      %mul3A_449 = arith.mulf %gather3A_444, %gather3A_446 : vector<16xf32>
      %add3A_450 = arith.addf %add3A_441, %mul3A_449 : vector<16xf32>
      %broadcast_in_dim3A_451 = arith.constant 22 : i32
      %broadcast_in_dim3A_452 = vector.broadcast %broadcast_in_dim3A_451 : i32 to vector<16xi32>
      %gather3A_453 = tpu.vector_load_idx %arg12[%add3A_250, %broadcast_in_dim3A_452] : memref<512x32xf32, #tpu.memory_space<vmem>>[vector<16xi32>, vector<16xi32>], vector<16xf32>,
      %gather3A_454 = tpu.vector_load_idx %arg13[%add3A_250, %broadcast_in_dim3A_452] : memref<512x32xf32, #tpu.memory_space<vmem>>[vector<16xi32>, vector<16xi32>], vector<16xf32>,
      %gather3A_455 = tpu.vector_load_idx %arg14[%add3A_250, %broadcast_in_dim3A_452] : memref<512x32xf32, #tpu.memory_space<vmem>>[vector<16xi32>, vector<16xi32>], vector<16xf32>,
      %mul3A_456 = arith.mulf %gather3A_453, %gather3A_454 : vector<16xf32>
      %add3A_457 = arith.addf %add3A_448, %mul3A_456 : vector<16xf32>
      %mul3A_458 = arith.mulf %gather3A_453, %gather3A_455 : vector<16xf32>
      %add3A_459 = arith.addf %add3A_450, %mul3A_458 : vector<16xf32>
      %broadcast_in_dim3A_460 = arith.constant 23 : i32
      %broadcast_in_dim3A_461 = vector.broadcast %broadcast_in_dim3A_460 : i32 to vector<16xi32>
      %gather3A_462 = tpu.vector_load_idx %arg12[%add3A_250, %broadcast_in_dim3A_461] : memref<512x32xf32, #tpu.memory_space<vmem>>[vector<16xi32>, vector<16xi32>], vector<16xf32>,
      %gather3A_463 = tpu.vector_load_idx %arg13[%add3A_250, %broadcast_in_dim3A_461] : memref<512x32xf32, #tpu.memory_space<vmem>>[vector<16xi32>, vector<16xi32>], vector<16xf32>,
      %gather3A_464 = tpu.vector_load_idx %arg14[%add3A_250, %broadcast_in_dim3A_461] : memref<512x32xf32, #tpu.memory_space<vmem>>[vector<16xi32>, vector<16xi32>], vector<16xf32>,
      %mul3A_465 = arith.mulf %gather3A_462, %gather3A_463 : vector<16xf32>
      %add3A_466 = arith.addf %add3A_457, %mul3A_465 : vector<16xf32>
      %mul3A_467 = arith.mulf %gather3A_462, %gather3A_464 : vector<16xf32>
      %add3A_468 = arith.addf %add3A_459, %mul3A_467 : vector<16xf32>
      %broadcast_in_dim3A_469 = arith.constant 24 : i32
      %broadcast_in_dim3A_470 = vector.broadcast %broadcast_in_dim3A_469 : i32 to vector<16xi32>
      %gather3A_471 = tpu.vector_load_idx %arg12[%add3A_250, %broadcast_in_dim3A_470] : memref<512x32xf32, #tpu.memory_space<vmem>>[vector<16xi32>, vector<16xi32>], vector<16xf32>,
      %gather3A_472 = tpu.vector_load_idx %arg13[%add3A_250, %broadcast_in_dim3A_470] : memref<512x32xf32, #tpu.memory_space<vmem>>[vector<16xi32>, vector<16xi32>], vector<16xf32>,
      %gather3A_473 = tpu.vector_load_idx %arg14[%add3A_250, %broadcast_in_dim3A_470] : memref<512x32xf32, #tpu.memory_space<vmem>>[vector<16xi32>, vector<16xi32>], vector<16xf32>,
      %mul3A_474 = arith.mulf %gather3A_471, %gather3A_472 : vector<16xf32>
      %add3A_475 = arith.addf %add3A_466, %mul3A_474 : vector<16xf32>
      %mul3A_476 = arith.mulf %gather3A_471, %gather3A_473 : vector<16xf32>
      %add3A_477 = arith.addf %add3A_468, %mul3A_476 : vector<16xf32>
      %broadcast_in_dim3A_478 = arith.constant 25 : i32
      %broadcast_in_dim3A_479 = vector.broadcast %broadcast_in_dim3A_478 : i32 to vector<16xi32>
      %gather3A_480 = tpu.vector_load_idx %arg12[%add3A_250, %broadcast_in_dim3A_479] : memref<512x32xf32, #tpu.memory_space<vmem>>[vector<16xi32>, vector<16xi32>], vector<16xf32>,
      %gather3A_481 = tpu.vector_load_idx %arg13[%add3A_250, %broadcast_in_dim3A_479] : memref<512x32xf32, #tpu.memory_space<vmem>>[vector<16xi32>, vector<16xi32>], vector<16xf32>,
      %gather3A_482 = tpu.vector_load_idx %arg14[%add3A_250, %broadcast_in_dim3A_479] : memref<512x32xf32, #tpu.memory_space<vmem>>[vector<16xi32>, vector<16xi32>], vector<16xf32>,
      %mul3A_483 = arith.mulf %gather3A_480, %gather3A_481 : vector<16xf32>
      %add3A_484 = arith.addf %add3A_475, %mul3A_483 : vector<16xf32>
      %mul3A_485 = arith.mulf %gather3A_480, %gather3A_482 : vector<16xf32>
      %add3A_486 = arith.addf %add3A_477, %mul3A_485 : vector<16xf32>
      %broadcast_in_dim3A_487 = arith.constant 26 : i32
      %broadcast_in_dim3A_488 = vector.broadcast %broadcast_in_dim3A_487 : i32 to vector<16xi32>
      %gather3A_489 = tpu.vector_load_idx %arg12[%add3A_250, %broadcast_in_dim3A_488] : memref<512x32xf32, #tpu.memory_space<vmem>>[vector<16xi32>, vector<16xi32>], vector<16xf32>,
      %gather3A_490 = tpu.vector_load_idx %arg13[%add3A_250, %broadcast_in_dim3A_488] : memref<512x32xf32, #tpu.memory_space<vmem>>[vector<16xi32>, vector<16xi32>], vector<16xf32>,
      %gather3A_491 = tpu.vector_load_idx %arg14[%add3A_250, %broadcast_in_dim3A_488] : memref<512x32xf32, #tpu.memory_space<vmem>>[vector<16xi32>, vector<16xi32>], vector<16xf32>,
      %mul3A_492 = arith.mulf %gather3A_489, %gather3A_490 : vector<16xf32>
      %add3A_493 = arith.addf %add3A_484, %mul3A_492 : vector<16xf32>
      %mul3A_494 = arith.mulf %gather3A_489, %gather3A_491 : vector<16xf32>
      %add3A_495 = arith.addf %add3A_486, %mul3A_494 : vector<16xf32>
      %broadcast_in_dim3A_496 = arith.constant 27 : i32
      %broadcast_in_dim3A_497 = vector.broadcast %broadcast_in_dim3A_496 : i32 to vector<16xi32>
      %gather3A_498 = tpu.vector_load_idx %arg12[%add3A_250, %broadcast_in_dim3A_497] : memref<512x32xf32, #tpu.memory_space<vmem>>[vector<16xi32>, vector<16xi32>], vector<16xf32>,
      %gather3A_499 = tpu.vector_load_idx %arg13[%add3A_250, %broadcast_in_dim3A_497] : memref<512x32xf32, #tpu.memory_space<vmem>>[vector<16xi32>, vector<16xi32>], vector<16xf32>,
      %gather3A_500 = tpu.vector_load_idx %arg14[%add3A_250, %broadcast_in_dim3A_497] : memref<512x32xf32, #tpu.memory_space<vmem>>[vector<16xi32>, vector<16xi32>], vector<16xf32>,
      %mul3A_501 = arith.mulf %gather3A_498, %gather3A_499 : vector<16xf32>
      %add3A_502 = arith.addf %add3A_493, %mul3A_501 : vector<16xf32>
      %mul3A_503 = arith.mulf %gather3A_498, %gather3A_500 : vector<16xf32>
      %add3A_504 = arith.addf %add3A_495, %mul3A_503 : vector<16xf32>
      %broadcast_in_dim3A_505 = arith.constant 28 : i32
      %broadcast_in_dim3A_506 = vector.broadcast %broadcast_in_dim3A_505 : i32 to vector<16xi32>
      %gather3A_507 = tpu.vector_load_idx %arg12[%add3A_250, %broadcast_in_dim3A_506] : memref<512x32xf32, #tpu.memory_space<vmem>>[vector<16xi32>, vector<16xi32>], vector<16xf32>,
      %gather3A_508 = tpu.vector_load_idx %arg13[%add3A_250, %broadcast_in_dim3A_506] : memref<512x32xf32, #tpu.memory_space<vmem>>[vector<16xi32>, vector<16xi32>], vector<16xf32>,
      %gather3A_509 = tpu.vector_load_idx %arg14[%add3A_250, %broadcast_in_dim3A_506] : memref<512x32xf32, #tpu.memory_space<vmem>>[vector<16xi32>, vector<16xi32>], vector<16xf32>,
      %mul3A_510 = arith.mulf %gather3A_507, %gather3A_508 : vector<16xf32>
      %add3A_511 = arith.addf %add3A_502, %mul3A_510 : vector<16xf32>
      %mul3A_512 = arith.mulf %gather3A_507, %gather3A_509 : vector<16xf32>
      %add3A_513 = arith.addf %add3A_504, %mul3A_512 : vector<16xf32>
      %broadcast_in_dim3A_514 = arith.constant 29 : i32
      %broadcast_in_dim3A_515 = vector.broadcast %broadcast_in_dim3A_514 : i32 to vector<16xi32>
      %gather3A_516 = tpu.vector_load_idx %arg12[%add3A_250, %broadcast_in_dim3A_515] : memref<512x32xf32, #tpu.memory_space<vmem>>[vector<16xi32>, vector<16xi32>], vector<16xf32>,
      %gather3A_517 = tpu.vector_load_idx %arg13[%add3A_250, %broadcast_in_dim3A_515] : memref<512x32xf32, #tpu.memory_space<vmem>>[vector<16xi32>, vector<16xi32>], vector<16xf32>,
      %gather3A_518 = tpu.vector_load_idx %arg14[%add3A_250, %broadcast_in_dim3A_515] : memref<512x32xf32, #tpu.memory_space<vmem>>[vector<16xi32>, vector<16xi32>], vector<16xf32>,
      %mul3A_519 = arith.mulf %gather3A_516, %gather3A_517 : vector<16xf32>
      %add3A_520 = arith.addf %add3A_511, %mul3A_519 : vector<16xf32>
      %mul3A_521 = arith.mulf %gather3A_516, %gather3A_518 : vector<16xf32>
      %add3A_522 = arith.addf %add3A_513, %mul3A_521 : vector<16xf32>
      %broadcast_in_dim3A_523 = arith.constant 30 : i32
      %broadcast_in_dim3A_524 = vector.broadcast %broadcast_in_dim3A_523 : i32 to vector<16xi32>
      %gather3A_525 = tpu.vector_load_idx %arg12[%add3A_250, %broadcast_in_dim3A_524] : memref<512x32xf32, #tpu.memory_space<vmem>>[vector<16xi32>, vector<16xi32>], vector<16xf32>,
      %gather3A_526 = tpu.vector_load_idx %arg13[%add3A_250, %broadcast_in_dim3A_524] : memref<512x32xf32, #tpu.memory_space<vmem>>[vector<16xi32>, vector<16xi32>], vector<16xf32>,
      %gather3A_527 = tpu.vector_load_idx %arg14[%add3A_250, %broadcast_in_dim3A_524] : memref<512x32xf32, #tpu.memory_space<vmem>>[vector<16xi32>, vector<16xi32>], vector<16xf32>,
      %mul3A_528 = arith.mulf %gather3A_525, %gather3A_526 : vector<16xf32>
      %add3A_529 = arith.addf %add3A_520, %mul3A_528 : vector<16xf32>
      %mul3A_530 = arith.mulf %gather3A_525, %gather3A_527 : vector<16xf32>
      %add3A_531 = arith.addf %add3A_522, %mul3A_530 : vector<16xf32>
      %broadcast_in_dim3A_532 = arith.constant 31 : i32
      %broadcast_in_dim3A_533 = vector.broadcast %broadcast_in_dim3A_532 : i32 to vector<16xi32>
      %gather3A_534 = tpu.vector_load_idx %arg12[%add3A_250, %broadcast_in_dim3A_533] : memref<512x32xf32, #tpu.memory_space<vmem>>[vector<16xi32>, vector<16xi32>], vector<16xf32>,
      %gather3A_535 = tpu.vector_load_idx %arg13[%add3A_250, %broadcast_in_dim3A_533] : memref<512x32xf32, #tpu.memory_space<vmem>>[vector<16xi32>, vector<16xi32>], vector<16xf32>,
      %gather3A_536 = tpu.vector_load_idx %arg14[%add3A_250, %broadcast_in_dim3A_533] : memref<512x32xf32, #tpu.memory_space<vmem>>[vector<16xi32>, vector<16xi32>], vector<16xf32>,
      %mul3A_537 = arith.mulf %gather3A_534, %gather3A_535 : vector<16xf32>
      %add3A_538 = arith.addf %add3A_529, %mul3A_537 : vector<16xf32>
      %mul3A_539 = arith.mulf %gather3A_534, %gather3A_536 : vector<16xf32>
      %add3A_540 = arith.addf %add3A_531, %mul3A_539 : vector<16xf32>
      %mul3A_541 = arith.constant 16 : i32
      %mul3A_542 = arith.muli %scan3A_246, %mul3A_541 : i32
      %swap3A = arith.index_cast %mul3A_542 : i32 to index
      %swap3A_543 = tpu.vector_load %arg15[%swap3A] {strides = array<i32>} : memref<512xf32, #tpu.memory_space<vmem>>, vector<16xf32>,
      tpu.vector_store %arg15[%swap3A], %add3A_538 {strides = array<i32>} : memref<512xf32, #tpu.memory_space<vmem>>, vector<16xf32>,
      %mul3A_544 = arith.constant 16 : i32
      %mul3A_545 = arith.muli %scan3A_246, %mul3A_544 : i32
      %swap3A_546 = arith.index_cast %mul3A_545 : i32 to index
      %swap3A_547 = tpu.vector_load %arg16[%swap3A_546] {strides = array<i32>} : memref<512xf32, #tpu.memory_space<vmem>>, vector<16xf32>,
      tpu.vector_store %arg16[%swap3A_546], %add3A_540 {strides = array<i32>} : memref<512xf32, #tpu.memory_space<vmem>>, vector<16xf32>,
    }
    %scan3A_245 = arith.constant 32 : i32
    "tpu.region"() ({
      %run_scoped3A = tpu.sem_alloc : memref<!tpu.dma_semaphore, #tpu.memory_space<semaphore_mem>>
      %dma_start3A_246 = tpu.memref_slice %arg7[%mul3A_2] : memref<16384xf32, #tpu.memory_space<hbm>> -> memref<512xf32, #tpu.memory_space<hbm>>
      %dma_start3A_247 = tpu.memref_slice %arg7[%mul3A_2] : memref<16384xf32, #tpu.memory_space<hbm>> -> memref<512xf32, #tpu.memory_space<hbm>>
      tpu.enqueue_dma source(%arg15 : memref<512xf32, #tpu.memory_space<vmem>>) target(%dma_start3A_247 : memref<512xf32, #tpu.memory_space<hbm>>) target_semaphore(%run_scoped3A : memref<!tpu.dma_semaphore, #tpu.memory_space<semaphore_mem>>)
      %dma_wait3A_248 = tpu.memref_slice %arg7[%mul3A_2] : memref<16384xf32, #tpu.memory_space<hbm>> -> memref<512xf32, #tpu.memory_space<hbm>>
      %dma_wait3A_249 = tpu.memref_slice %arg7[%mul3A_2] : memref<16384xf32, #tpu.memory_space<hbm>> -> memref<512xf32, #tpu.memory_space<hbm>>
      tpu.wait_dma2 semaphore(%run_scoped3A : memref<!tpu.dma_semaphore, #tpu.memory_space<semaphore_mem>>) src(%arg15 : memref<512xf32, #tpu.memory_space<vmem>>) dst(%dma_wait3A_249 : memref<512xf32, #tpu.memory_space<hbm>>)
      tpu.yield
    }) : () -> ()
    "tpu.region"() ({
      %run_scoped3A = tpu.sem_alloc : memref<!tpu.dma_semaphore, #tpu.memory_space<semaphore_mem>>
      %dma_start3A_246 = tpu.memref_slice %arg8[%mul3A_2] : memref<16384xf32, #tpu.memory_space<hbm>> -> memref<512xf32, #tpu.memory_space<hbm>>
      %dma_start3A_247 = tpu.memref_slice %arg8[%mul3A_2] : memref<16384xf32, #tpu.memory_space<hbm>> -> memref<512xf32, #tpu.memory_space<hbm>>
      tpu.enqueue_dma source(%arg16 : memref<512xf32, #tpu.memory_space<vmem>>) target(%dma_start3A_247 : memref<512xf32, #tpu.memory_space<hbm>>) target_semaphore(%run_scoped3A : memref<!tpu.dma_semaphore, #tpu.memory_space<semaphore_mem>>)
      %dma_wait3A_248 = tpu.memref_slice %arg8[%mul3A_2] : memref<16384xf32, #tpu.memory_space<hbm>> -> memref<512xf32, #tpu.memory_space<hbm>>
      %dma_wait3A_249 = tpu.memref_slice %arg8[%mul3A_2] : memref<16384xf32, #tpu.memory_space<hbm>> -> memref<512xf32, #tpu.memory_space<hbm>>
      tpu.wait_dma2 semaphore(%run_scoped3A : memref<!tpu.dma_semaphore, #tpu.memory_space<semaphore_mem>>) src(%arg16 : memref<512xf32, #tpu.memory_space<vmem>>) dst(%dma_wait3A_249 : memref<512xf32, #tpu.memory_space<hbm>>)
      tpu.yield
    }) : () -> ()
    return
  }
}

</mosaic_0001>

<sc_bundles>
// kernel: kernel.3.cloned.1.call-start
scs
__scs_entry_jumppad:
0x0: {  	(pc) =	sbr.rel $0x88, $3  }
0x1: {  	(tag) =	ssettag $0x0;
	lr =	simm.s32 $0x1  }
0x2: {  	[smem:$0x3F9C] =	sst lr;
	_ =	strace $0xD0000000  }
0x3: {  	_ = 	snop  }
0x4: {  	_ = 	snop  }
0x5: {  	_ = 	snop  }
0x6: {  	_ = 	snop  }
0x7: {  	_ = 	snop  }
__scs_overlays_trampoline_lowered:
0x8: {  	[smem:$0x3FAB] =	sst s0  }
0x9: {  	[smem:$0x3FAC] =	sst s1  }
0xa: {  	[smem:$0x3FAD] =	sst s2  }
0xb: {  	[smem:$0x3FAE] =	sst s3  }
0xc: {  	[smem:$0x3FAF] =	sst s4  }
0xd: {  	[smem:$0x3FB0] =	sst s5  }
0xe: {  	[smem:$0x3FB1] =	sst s6  }
0xf: {  	[smem:$0x3FB2] =	sst s7  }
0x10: {  	[smem:$0x3FB3] =	sst s8  }
0x11: {  	[smem:$0x3FB4] =	sst s9;
	s0 =	simm.s32 @!p0 $0x0  }
0x12: {  	s1 =	sld [smem:$0x3F9A];
	s0 =	simm.s32 @p0 $0x1  }
0x13: {  	[smem:$0x3FB5] =	sst s0;
	s0 =	simm.s32 @!p1 $0x0  }
0x14: {  	s2 =	sld [smem:$0x3F99];
	s0 =	simm.s32 @p1 $0x1  }
0x15: {  	[smem:$0x3FB6] =	sst s0;
	s0 =	simm.s32 @!p2 $0x0  }
0x16: {  	s3 =	sld [smem:$0x3FDB];
	s0 =	simm.s32 @p2 $0x1  }
0x17: {  	s4 =	simm.s32 $0x1BF5;
	[smem:$0x3FB8] =	sst s0  }
0x18: {  	s0 =	sld [smem:$0x3F9B];
	_ =	swait.ge [sflag:s4], $0x0  }
0x19: {  	s7 =	sld [smem:$0x3F9C]  }
0x1a: {  	s8 =	sadd.s32 $0xFFFFE003, lr  }
0x1b: {  	s9 =	sadd.s32 $0xFFFFFEF7, lr;
	s5 =	simm.s32 $0xFFFFFFFF;
	p2 =	slt.u32 s8, $0xFFFFF086  }
0x1c: {  	p1 =	slt.u32 s9, $0xF7A;
	s5 =	simm.s32 @!p2 $0x0  }
0x1d: {  	s5 =	simm.s32 @p1 $0x1;
	p0 =	seq.s32 s7, s2  }
0x1e: {  	s7 =	smul.u32 @!p0 $0xF7A, s2;
	p2 =	seq.s32 @!p0 s5, $0x0  }
0x1f: {  	s9 =	smul.u32 $0xF7A, s1;
	s8 =	simm.s32 @!p0 $0x1BF5;
	p2 =	por !p2, p0  }
0x20: {  	[sflag:s8] =	ssyncset.s32 @!p0 $0xFFFFF086;
	s6 =	sadd.s32 @!p0 s3, s7;
	s7 =	simm.s32 @!p0 $0x108  }
0x21: {  	s3 =	sadd.s32 s3, s9;
	s6 =	sadd.s32 @!p0 $0x88, s6;
	s7 =	simm.s32 @p2 $0x1082  }
0x22: {  	[simem:s7], [sflag:s8] =	dma.local @!p0 [hbm:s6], $0xF7A  }
0x23: {  	s9 =	sor.u32 $0xD0000000, s2;
	s6 =	simm.s32 $0x108;
	_ =	swait.ge @!p0 [sflag:s8], $0x0  }
0x24: {  	s3 =	sadd.s32 $0x88, s3;
	s6 =	simm.s32 @!p1 $0x1082;
	[sflag:s4] =	ssyncset.s32 $0xFFFFF086  }
0x25: {  	[simem:s6], [sflag:s4] =	dma.local [hbm:s3], $0xF7A  }
0x26: {  	[smem:$0x3F9C] =	sst s1;
	(tag) =	ssettag s2;
	_ =	strace s9  }
0x27: {  	s1 =	sld [smem:$0x3FAC]  }
0x28: {  	s2 =	sld [smem:$0x3FAD]  }
0x29: {  	s4 =	sld [smem:$0x3FAF]  }
0x2a: {  	p0 =	seq.s32 s5, $0x0;
	s5 =	sld [smem:$0x3FB0]  }
0x2b: {  	s6 =	sld [smem:$0x3FB1]  }
0x2c: {  	s7 =	sld [smem:$0x3FB2]  }
0x2d: {  	s3 =	simm.s32 $0x108;
	s8 =	sld [smem:$0x3FB3]  }
0x2e: {  	s3 =	simm.s32 @!p0 $0x1082;
	s9 =	sld [smem:$0x3FB4]  }
0x2f: {  	lr =	sadd.s32 s0, s3;
	s0 =	sld [smem:$0x3FAB]  }
0x30: {  	s3 =	sld [smem:$0x3FAE]  }
0x31: {  	[smem:$0x3FB7] =	sst s10  }
0x32: {  	s10 =	sld [smem:$0x3FB5];
	_ =	sdelay $0x3  }
0x33: {  	p0 =	seq.s32 s10, $0x1;
	s10 =	sld [smem:$0x3FB7];
	_ =	sdelay $0x3  }
0x34: {  	[smem:$0x3FB7] =	sst s10  }
0x35: {  	s10 =	sld [smem:$0x3FB6];
	_ =	sdelay $0x3  }
0x36: {  	p1 =	seq.s32 s10, $0x1;
	s10 =	sld [smem:$0x3FB7];
	_ =	sdelay $0x3  }
0x37: {  	[smem:$0x3FB7] =	sst s10  }
0x38: {  	s10 =	sld [smem:$0x3FB8]  }
0x39: {  	_ = 	snop;
	(pc) =	sbr.ind lr, $3  }
0x3a: {  	_ = 	snop  }
0x3b: {  	_ = 	snop  }
0x3c: {  	p2 =	seq.s32 s10, $0x1;
	s10 =	sld [smem:$0x3FB7]  }
0x3d: {  	_ =	shalt  }
0x3e: {  	_ =	shalt  }
0x3f: {  	_ =	shalt  }
0x40: {  	_ =	shalt  }
0x41: {  	_ =	shalt  }
0x42: {  	_ =	shalt  }
0x43: {  	_ =	shalt  }
0x44: {  	_ =	shalt  }
0x45: {  	_ =	shalt  }
0x46: {  	_ =	shalt  }
0x47: {  	_ =	shalt  }
0x48: {  	_ =	shalt  }
0x49: {  	_ =	shalt  }
0x4a: {  	_ =	shalt  }
0x4b: {  	_ =	shalt  }
0x4c: {  	_ =	shalt  }
0x4d: {  	_ =	shalt  }
0x4e: {  	_ =	shalt  }
0x4f: {  	_ =	shalt  }
0x50: {  	_ =	shalt  }
0x51: {  	_ =	shalt  }
0x52: {  	_ =	shalt  }
0x53: {  	_ =	shalt  }
0x54: {  	_ =	shalt  }
0x55: {  	_ =	shalt  }
0x56: {  	_ =	shalt  }
0x57: {  	_ =	shalt  }
0x58: {  	_ =	shalt  }
0x59: {  	_ =	shalt  }
0x5a: {  	_ =	shalt  }
0x5b: {  	_ =	shalt  }
0x5c: {  	_ =	shalt  }
0x5d: {  	_ =	shalt  }
0x5e: {  	_ =	shalt  }
0x5f: {  	_ =	shalt  }
0x60: {  	_ =	shalt  }
0x61: {  	_ =	shalt  }
0x62: {  	_ =	shalt  }
0x63: {  	_ =	shalt  }
0x64: {  	_ =	shalt  }
0x65: {  	_ =	shalt  }
0x66: {  	_ =	shalt  }
0x67: {  	_ =	shalt  }
0x68: {  	_ =	shalt  }
0x69: {  	_ =	shalt  }
0x6a: {  	_ =	shalt  }
0x6b: {  	_ =	shalt  }
0x6c: {  	_ =	shalt  }
0x6d: {  	_ =	shalt  }
0x6e: {  	_ =	shalt  }
0x6f: {  	_ =	shalt  }
0x70: {  	_ =	shalt  }
0x71: {  	_ =	shalt  }
0x72: {  	_ =	shalt  }
0x73: {  	_ =	shalt  }
0x74: {  	_ =	shalt  }
0x75: {  	_ =	shalt  }
0x76: {  	_ =	shalt  }
0x77: {  	_ =	shalt  }
0x78: {  	_ =	shalt  }
0x79: {  	_ =	shalt  }
0x7a: {  	_ =	shalt  }
0x7b: {  	_ =	shalt  }
0x7c: {  	_ =	shalt  }
0x7d: {  	_ =	shalt  }
0x7e: {  	_ =	shalt  }
0x7f: {  	_ =	shalt  }
0x80: {  	_ =	shalt  }
0x81: {  	_ =	shalt  }
0x82: {  	_ =	shalt  }
0x83: {  	_ =	shalt  }
0x84: {  	_ =	shalt  }
0x85: {  	_ =	shalt  }
0x86: {  	_ =	shalt  }
0x87: {  	_ =	shalt  }
.Lfunc_end0:
.L_simem_size_0:
called_computation_lowered:
.L_overlay_start_0:
0x88: {  	s2 =	sld [smem:$0x3FD9]  }
0x89: {  	s3 =	sld [smem:$0x3FFE];
	_ =	sdelay $0x1  }
0x8a: {  	s1 =	srdreg.scid  }
0x8b: {  	s0 =	sand.u32 $0x1, s1  }
0x8c: {  	s14 =	sshll.u32 s0, $0xA;
	s2 =	sadd.s32 s3, s2  }
0x8d: {  	s2 =	sadd.s32 s2, s14  }
0x8e: {  	[smem:$0x3FC3] =	sst s2  }
0x8f: {  	_ = 	snop  }
0x90: {  	s2 =	sld [smem:$0x3FD0]  }
0x91: {  	s15 =	sld [smem:$0x3FC9]  }
0x92: {  	s4 =	sld [smem:$0x3FC8]  }
0x93: {  	s6 =	simm.s32 $0xA;
	s7 =	simm.s32 $0x10;
	s5 =	sld [smem:$0x3FC7]  }
0x94: {  	[smem:s7], [sflag:s6] =	dma.local [hbm:s2], $0x1  }
0x95: {  	_ =	swait.eq [sflag:s6], $0x1  }
0x96: {  	[sflag:s6] =	ssyncset.done $0x0  }
0x97: {  	s16 =	sld [smem:$0x10];
	[sflag:s6] =	ssyncadd.s32 $0xFFFFFFFF  }
0x98: {  	s17 =	sld [smem:$0x11];
	(tm) =	ssettm $0x1  }
0x99: {  	s18 =	sld [smem:$0x3FFB];
	_ =	sdelay $0x3  }
0x9a: {  	_ =	strace s18  }
0x9b: {  	s7 =	sld [smem:$0x3FFC];
	_ =	sdelay $0x3  }
0x9c: {  	_ =	strace s7  }
0x9d: {  	s7 =	sld [smem:$0x3FFD];
	_ =	sdelay $0x3  }
0x9e: {  	_ =	strace s7  }
0x9f: {  	_ =	strace $0x8FFFFFFF  }
0xa0: {  	s19 =	sld [smem:$0x3FDB];
	_ =	sdelay $0x1  }
0xa1: {  	s8 =	simm.s32 $_scs_section_size  }
0xa2: {  	s9 =	simm.s32 $_size__tile_overlayer_lowered;
	s10 =	simm.s32 $_tile_overlayer_lowered  }
0xa3: {  	s22 =	simm.s32 $0x1BFF;
	s21 =	sshll.u32 s10, $0x1;
	s7 =	sadd.s32 s8, s19  }
0xa4: {  	s11 =	simm.s32 $0x0;
	s20 =	sshll.u32 s9, $0x1;
	s9 =	sadd.s32 s21, s7  }
0xa5: {  	[timem:s11], [sflag:s22] =	dma.local [hbm:s9], s20  }
0xa6: {  	_ =	swait.ge [sflag:s22], s20  }
0xa7: {  	s8 =	ssub.s32 $0x0, s20;
	[sflag:s22] =	ssyncset.done $0x0  }
0xa8: {  	[sflag:s22] =	ssyncadd.s32 s8;
	_ =	sdelay $0x1  }
0xa9: {  	s23 =	simm.s32 $0x1B8B  }
0xaa: {  	_ =	swait.ge [sflag:s23], $0x1  }
0xab: {  	[sflag:s23] =	ssyncset.done $0x0  }
0xac: {  	s25 =	simm.s32 $0x1B8E;
	s24 =	sld [smem:$0x3FFE];
	[sflag:s23] =	ssyncadd.s32 $0xFFFFFFFF  }
0xad: {  	s26 =	simm.s32 $execute0_lowered;
	[smem:$0x3FD2] =	sst s25  }
0xae: {  	s9 =	sshll.u32 s26, $0x1;
	_ =	strace $0x80000046;
	[dreg:$0x1] =	wrdreg $0xFFFFFFFF  }
0xaf: {  	s28 =	simm.s32 $_size_execute0_lowered;
	s7 =	sadd.s32 s7, s9;
	[dreg:$0x0] =	wrdreg $0x0  }
0xb0: {  	s9 =	sshll.u32 s28, $0x1;
	[dreg:$0x2] =	wrdreg s7  }
0xb1: {  	[dreg:$0x3] =	wrdreg s9  }
0xb2: {  	[dreg:$0x4] =	wrdreg $0xC0  }
0xb3: {  	_ =	task [dreg:s11], $0x5FFFF  }
0xb4: {  	[dreg:$0x1] =	wrdreg $0xFFFFFFFF  }
0xb5: {  	[dreg:$0x0] =	wrdreg $0x60  }
0xb6: {  	[dreg:$0x2] =	wrdreg s24  }
0xb7: {  	[dreg:$0x3] =	wrdreg s15  }
0xb8: {  	[dreg:$0x4] =	wrdreg s4  }
0xb9: {  	[dreg:$0x5] =	wrdreg s5  }
0xba: {  	[dreg:$0x6] =	wrdreg s16  }
0xbb: {  	[dreg:$0x7] =	wrdreg s17  }
0xbc: {  	[dreg:$0x8] =	wrdreg $0x9  }
0xbd: {  	_ =	task.clear_ibuf [dreg:s11], $0x9FFFF;
	_ =	strace $0x90000046  }
0xbe: {  	s29 =	simm.s32 $0x9;
	_ =	strace $0x80000048  }
0xbf: {  	_ =	swait.ge [sflag:s29], $0x1  }
0xc0: {  	[sflag:s29] =	ssyncadd.s32 $0xFFFFFFFF  }
0xc1: {  	_ =	strace $0x90000048  }
0xc2: {  	_ =	sfence  }
0xc3: {  	s30 =	sld [smem:$0x0];
	_ =	sdelay $0x2  }
0xc4: {  	s31 =	sshll.u32 s1, $0xD;
	s1 =	sshrl.u32 s1, $0x2  }
0xc5: {  	s3 =	sand.u32 $0x4000, s31;
	s1 =	sadd.s32 s1, s30  }
0xc6: {  	s0 =	sor.u32 s3, s0;
	s1 =	sshll.u32 s1, $0x11  }
0xc7: {  	s0 =	sor.u32 s1, s0  }
0xc8: {  	s0 =	sadd.s32 $0x8F2B, s0  }
0xc9: {  	[sflag:s0] =	ssyncadd.remote.s32 $0x1  }
0xca: {  	_ =	sfence.sel $0xFFFF  }
0xcb: {  	[dreg:$0x0] =	wrdreg $0xFFFFFFFF;
	(pc) =	sbr.abs _section_cstart, $3  }
0xcc: {  	[dreg:$0x1] =	wrdreg $0xFFFFFFFF  }
0xcd: {  	_ =	task.clear_ibuf [dreg:s11], $0x2FFFF;
	_ =	strace $0x9FFFFFFF  }
0xce: {  	(tm) =	ssettm $0x7FFFFFFF  }
0xcf: {  	_ =	shalt  }
tec
execute0_lowered:
.L_overlay_start_1:
0x0: {  	(tag) =	ssettag $0x1  }
0x1: {  	s0 =	rddreg [dreg:$0x0]  }
0x2: {  	s1 =	rddreg [dreg:$0x1]  }
0x3: {  	s6 =	rddreg [dreg:$0x2]  }
0x4: {  	s7 =	rddreg [dreg:$0x3]  }
0x5: {  	s8 =	rddreg [dreg:$0x4]  }
0x6: {  	s9 =	rddreg [dreg:$0x5]  }
0x7: {  	s2 =	simm.s32 $0x0;
	s3 =	srdreg.scid;
	s4 =	stileid.u32  }
0x8: {  	s12 =	simm.s32 $0x200;
	s13 =	simm.s32 $0x400;
	s14 =	simm.s32 $0x80  }
0x9: {  	s15 =	simm.s32 $0x600;
	s16 =	simm.s32 $0x4600;
	s17 =	simm.s32 $0x8600  }
0xa: {  	s28 =	simm.s32 $0x500;
	s29 =	simm.s32 $0xA600;
	s30 =	simm.s32 $0x180  }
0xb: {  	s31 =	simm.s32 $0x3600;
	s18 =	simm.s32 $0x580;
	s19 =	simm.s32 $0xB600  }
0xc: {  	s20 =	simm.s32 $0x1;
	s21 =	simm.s32 $0xC600;
	s22 =	simm.s32 $0xC800  }
0xd: {  	s23 =	simm.s32 $0x0;
	[smem:$0x7FF] =	sst s2;
	s3 =	sand.u32 $0x1, s3  }
0xe: {  	s4 =	sshll.u32 s4, $0x7;
	_ =	strace $0x80000047;
	s5 =	ssub.s32 $0x2, s3  }
0xf: {  	s10 =	sshll.u32 s3, $0x6;
	s3 =	sadd.s32 $0xF42C00, s0;
	s11 =	sshrl.u32 s5, $0x1  }
0x10: {  	v0 =	vlaneseq.u32;
	s10 =	sor.u32 s10, s4;
	s4 =	sadd.s32 $0x1313600, s0;
	s0 =	simm.s32 $0x380  }
0x11: {  	v0 =	vmul.u32 $0x20, v0;
	s26 =	ssub.s32 s5, s11;
	s5 =	sadd.s32 s1, s10;
	s6 =	sadd.s32 s6, s10  }
0x12: {  	s7 =	sadd.s32 s7, s10;
	s8 =	sadd.s32 s8, s10;
	s9 =	sadd.s32 s9, s10  }
0x13: {  	[tilespmem:$0x1FFF0] =	vst v0;
	s11 =	simm.s32 $0x2;
	s1 =	simm.s32 $0x7600;
	s10 =	smax.u32 s26, $0x1  }
.LBB2_1:
0x14: {  	[tilespmem:s2], [sflag:$0x2] =	stream.linear.gather [hbm4b:s5+s2], $0x200, $0x38;
	[tilespmem:$0xCA00] =	vst v63  }
0x15: {  	_ =	swait.ge [sflag:s11], $0x200  }
0x16: {  	[sflag:s11] =	ssyncset.done $0x0  }
0x17: {  	[sflag:s11] =	ssyncadd.s32 $0xFFFFFE00  }
0x18: {  	[tilespmem:s12], [sflag:$0x2] =	stream.linear.gather [hbm4b:s6+s2], $0x200, $0x38;
	[tilespmem:$0xCA00] =	vst v63  }
0x19: {  	_ =	swait.ge [sflag:s11], $0x200  }
0x1a: {  	[sflag:s11] =	ssyncset.done $0x0  }
0x1b: {  	[sflag:s11] =	ssyncadd.s32 $0xFFFFFE00  }
0x1c: {  	[tilespmem:s13], [sflag:$0x2] =	stream.linear.gather [hbm4b:s7+s2], $0x200, $0x38;
	[tilespmem:$0xCA00] =	vst v63  }
0x1d: {  	_ =	swait.ge [sflag:s11], $0x200  }
0x1e: {  	[sflag:s11] =	ssyncset.done $0x0  }
0x1f: {  	[sflag:s11] =	ssyncadd.s32 $0xFFFFFE00  }
0x20: {  	[tilespmem:s15], [sflag:$0x1] =	stream.indirect.gather [hbm4b:s3+s14], $0x20, s2, s14, $0xb8;
	[tilespmem:$0xCA00] =	vst v63  }
0x21: {  	_ = 	snop  }
0x22: {  	[tilespmem:s16], [sflag:$0x1] =	stream.indirect.gather [hbm4b:s4+s14], $0x20, s12, s14, $0xb8;
	[tilespmem:$0xCA00] =	vst v63  }
0x23: {  	_ = 	snop  }
0x24: {  	[tilespmem:s17], [sflag:$0x1] =	stream.indirect.gather [hbm4b:s4+s14], $0x20, s13, s14, $0xb8;
	[tilespmem:$0xCA00] =	vst v63  }
0x25: {  	s24 =	simm.s32 $0x1600  }
0x26: {  	[tilespmem:s24], [sflag:$0x1] =	stream.indirect.gather [hbm4b:s3+s14], $0x20, s14, s14, $0xb8;
	[tilespmem:$0xCA00] =	vst v63  }
0x27: {  	s26 =	simm.s32 $0x280;
	s25 =	simm.s32 $0x5600  }
0x28: {  	[tilespmem:s25], [sflag:$0x1] =	stream.indirect.gather [hbm4b:s4+s14], $0x20, s26, s14, $0xb8;
	[tilespmem:$0xCA00] =	vst v63  }
0x29: {  	s25 =	simm.s32 $0x480;
	s26 =	simm.s32 $0x9600  }
0x2a: {  	[tilespmem:s26], [sflag:$0x1] =	stream.indirect.gather [hbm4b:s4+s14], $0x20, s25, s14, $0xb8;
	[tilespmem:$0xCA00] =	vst v63  }
0x2b: {  	s25 =	simm.s32 $0x100;
	s26 =	simm.s32 $0x2600  }
0x2c: {  	[tilespmem:s26], [sflag:$0x1] =	stream.indirect.gather [hbm4b:s3+s14], $0x20, s25, s14, $0xb8;
	[tilespmem:$0xCA00] =	vst v63  }
0x2d: {  	s25 =	simm.s32 $0x300;
	s26 =	simm.s32 $0x6600  }
0x2e: {  	[tilespmem:s26], [sflag:$0x1] =	stream.indirect.gather [hbm4b:s4+s14], $0x20, s25, s14, $0xb8;
	[tilespmem:$0xCA00] =	vst v63  }
0x2f: {  	_ = 	snop  }
0x30: {  	[tilespmem:s29], [sflag:$0x1] =	stream.indirect.gather [hbm4b:s4+s14], $0x20, s28, s14, $0xb8;
	[tilespmem:$0xCA00] =	vst v63  }
0x31: {  	_ = 	snop  }
0x32: {  	[tilespmem:s31], [sflag:$0x1] =	stream.indirect.gather [hbm4b:s3+s14], $0x20, s30, s14, $0xb8;
	[tilespmem:$0xCA00] =	vst v63  }
0x33: {  	_ = 	snop  }
0x34: {  	[tilespmem:s1], [sflag:$0x1] =	stream.indirect.gather [hbm4b:s4+s14], $0x20, s0, s14, $0xb8;
	[tilespmem:$0xCA00] =	vst v63  }
0x35: {  	_ = 	snop  }
0x36: {  	[tilespmem:s19], [sflag:$0x1] =	stream.indirect.gather [hbm4b:s4+s14], $0x20, s18, s14, $0xb8;
	[tilespmem:$0xCA00] =	vst v63  }
0x37: {  	_ =	swait.ge [sflag:s20], $0x1000  }
0x38: {  	[sflag:s20] =	ssyncset.done $0x0  }
0x39: {  	[sflag:s20] =	ssyncadd.s32 $0xFFFFF000  }
0x3a: {  	_ =	swait.ge [sflag:s20], $0x1000  }
0x3b: {  	[sflag:s20] =	ssyncset.done $0x0  }
0x3c: {  	[sflag:s20] =	ssyncadd.s32 $0xFFFFF000  }
0x3d: {  	_ =	swait.ge [sflag:s20], $0x1000  }
0x3e: {  	[sflag:s20] =	ssyncset.done $0x0  }
0x3f: {  	[sflag:s20] =	ssyncadd.s32 $0xFFFFF000  }
0x40: {  	_ =	swait.ge [sflag:s20], $0x1000  }
0x41: {  	[sflag:s20] =	ssyncset.done $0x0  }
0x42: {  	[sflag:s20] =	ssyncadd.s32 $0xFFFFF000  }
0x43: {  	_ =	swait.ge [sflag:s20], $0x1000  }
0x44: {  	[sflag:s20] =	ssyncset.done $0x0  }
0x45: {  	[sflag:s20] =	ssyncadd.s32 $0xFFFFF000  }
0x46: {  	_ =	swait.ge [sflag:s20], $0x1000  }
0x47: {  	[sflag:s20] =	ssyncset.done $0x0  }
0x48: {  	[sflag:s20] =	ssyncadd.s32 $0xFFFFF000  }
0x49: {  	_ =	swait.ge [sflag:s20], $0x1000  }
0x4a: {  	[sflag:s20] =	ssyncset.done $0x0  }
0x4b: {  	[sflag:s20] =	ssyncadd.s32 $0xFFFFF000  }
0x4c: {  	_ =	swait.ge [sflag:s20], $0x1000  }
0x4d: {  	[sflag:s20] =	ssyncset.done $0x0  }
0x4e: {  	[sflag:s20] =	ssyncadd.s32 $0xFFFFF000  }
0x4f: {  	_ =	swait.ge [sflag:s20], $0x1000  }
0x50: {  	[sflag:s20] =	ssyncset.done $0x0  }
0x51: {  	[sflag:s20] =	ssyncadd.s32 $0xFFFFF000  }
0x52: {  	_ =	swait.ge [sflag:s20], $0x1000  }
0x53: {  	v1 =	vmov s2;
	[sflag:s20] =	ssyncset.done $0x0  }
0x54: {  	v1 =	vshll.u32 v1, $0x5;
	[sflag:s20] =	ssyncadd.s32 $0xFFFFF000  }
0x55: {  	v31 =	vor.u32 v0, v1;
	_ =	swait.ge [sflag:s20], $0x1000  }
0x56: {  	v5 =	vor.u32 $0x1F, v31;
	[sflag:s20] =	ssyncset.done $0x0  }
0x57: {  	v8 =	vor.u32 $0x1C, v31;
	[sflag:s20] =	ssyncadd.s32 $0xFFFFF000  }
0x58: {  	v10 =	vor.u32 $0x1B, v31;
	_ =	swait.ge [sflag:s20], $0x1000  }
0x59: {  	v12 =	vor.u32 $0x1A, v31;
	[sflag:s20] =	ssyncset.done $0x0  }
0x5a: {  	v14 =	vor.u32 $0x19, v31;
	[sflag:s20] =	ssyncadd.s32 $0xFFFFF000  }
0x5b: {  	v16 =	vor.u32 $0x18, v31;
	v1 =	vld.idx.msk [tilespmem:v5+s16+$0x0], $0xffff  }
0x5c: {  	v18 =	vor.u32 $0x17, v31;
	v7 =	vld.idx.msk [tilespmem:v8+s16+$0x0], $0xffff  }
0x5d: {  	v20 =	vor.u32 $0x16, v31;
	v9 =	vld.idx.msk [tilespmem:v10+s16+$0x0], $0xffff  }
0x5e: {  	v22 =	vor.u32 $0x15, v31;
	v11 =	vld.idx.msk [tilespmem:v12+s16+$0x0], $0xffff  }
0x5f: {  	v24 =	vor.u32 $0x14, v31;
	v13 =	vld.idx.msk [tilespmem:v14+s16+$0x0], $0xffff  }
0x60: {  	v26 =	vor.u32 $0x13, v31;
	v15 =	vld.idx.msk [tilespmem:v16+s16+$0x0], $0xffff  }
0x61: {  	v28 =	vor.u32 $0x12, v31;
	v17 =	vld.idx.msk [tilespmem:v18+s16+$0x0], $0xffff  }
0x62: {  	v30 =	vor.u32 $0x11, v31;
	v19 =	vld.idx.msk [tilespmem:v20+s16+$0x0], $0xffff  }
0x63: {  	v32 =	vor.u32 $0x10, v31;
	v21 =	vld.idx.msk [tilespmem:v22+s16+$0x0], $0xffff  }
0x64: {  	v33 =	vor.u32 $0xF, v31;
	v23 =	vld.idx.msk [tilespmem:v24+s16+$0x0], $0xffff  }
0x65: {  	v34 =	vor.u32 $0xE, v31;
	v25 =	vld.idx.msk [tilespmem:v26+s16+$0x0], $0xffff  }
0x66: {  	v35 =	vor.u32 $0xD, v31;
	v27 =	vld.idx.msk [tilespmem:v28+s16+$0x0], $0xffff  }
0x67: {  	v37 =	vor.u32 $0xB, v31;
	v29 =	vld.idx.msk [tilespmem:v30+s16+$0x0], $0xffff  }
0x68: {  	v42 =	vor.u32 $0x4, v31;
	v38 =	vld.idx.msk [tilespmem:v32+s16+$0x0], $0xffff  }
0x69: {  	v44 =	vor.u32 $0x3, v31;
	v40 =	vld.idx.msk [tilespmem:v33+s16+$0x0], $0xffff  }
0x6a: {  	v46 =	vor.u32 $0x2, v31;
	v41 =	vld.idx.msk [tilespmem:v34+s16+$0x0], $0xffff  }
0x6b: {  	v48 =	vor.u32 $0x1, v31;
	v43 =	vld.idx.msk [tilespmem:v35+s16+$0x0], $0xffff  }
0x6c: {  	v47 =	vld.idx.msk [tilespmem:v37+s16+$0x0], $0xffff  }
0x6d: {  	v50 =	vld.idx.msk [tilespmem:v42+s16+$0x0], $0xffff  }
0x6e: {  	v51 =	vld.idx.msk [tilespmem:v44+s16+$0x0], $0xffff  }
0x6f: {  	v52 =	vld.idx.msk [tilespmem:v46+s16+$0x0], $0xffff  }
0x70: {  	v53 =	vld.idx.msk [tilespmem:v48+s16+$0x0], $0xffff  }
0x71: {  	v4 =	vor.u32 $0x1E, v31;
	v54 =	vld.idx.msk [tilespmem:v31+s16+$0x0], $0xffff  }
0x72: {  	v55 =	vld.idx.msk [tilespmem:v31+s15+$0x0], $0xffff  }
0x73: {  	v56 =	vld.idx.msk [tilespmem:v31+s17+$0x0], $0xffff  }
0x74: {  	v57 =	vld.idx.msk [tilespmem:v48+s15+$0x0], $0xffff  }
0x75: {  	v48 =	vld.idx.msk [tilespmem:v48+s17+$0x0], $0xffff  }
0x76: {  	v6 =	vor.u32 $0x1D, v31;
	[tilespmem:$0x1FFB0] =	vst v1;
	v1 =	vld.idx.msk [tilespmem:v4+s16+$0x0], $0xffff  }
0x77: {  	v59 =	vor.u32 $0x9, v31;
	v58 =	vld.idx.msk [tilespmem:v46+s15+$0x0], $0xffff  }
0x78: {  	v62 =	vor.u32 $0x7, v31;
	v46 =	vld.idx.msk [tilespmem:v46+s17+$0x0], $0xffff  }
0x79: {  	v36 =	vor.u32 $0xC, v31;
	v63 =	vor.u32 $0x6, v31;
	v61 =	vld.idx.msk [tilespmem:v44+s15+$0x0], $0xffff  }
0x7a: {  	v39 =	vor.u32 $0xA, v31;
	v60 =	vor.u32 $0x8, v31;
	v44 =	vld.idx.msk [tilespmem:v44+s17+$0x0], $0xffff;
	v31 =	vor.u32 $0x5, v31  }
0x7b: {  	[tilespmem:$0x1FFA0] =	vst v1;
	v1 =	vld.idx.msk [tilespmem:v6+s16+$0x0], $0xffff  }
0x7c: {  	v3 =	vld.idx.msk [tilespmem:v59+s16+$0x0], $0xffff  }
0x7d: {  	v2 =	vld.idx.msk [tilespmem:v62+s16+$0x0], $0xffff;
	v54 =	vmul.f32 v54, v55;
	v55 =	vmul.f32 v56, v55  }
0x7e: {  	v53 =	vmul.f32 v53, v57;
	v48 =	vmul.f32 v48, v57;
	v57 =	vld.idx.msk [tilespmem:v63+s16+$0x0], $0xffff  }
0x7f: {  	v52 =	vmul.f32 v52, v58;
	v46 =	vmul.f32 v46, v58;
	v58 =	vld.idx.msk [tilespmem:v31+s15+$0x0], $0xffff;
	v54 =	vadd.f32 $0.0e+00, v54  }
0x80: {  	v55 =	vadd.f32 $0.0e+00, v55;
	[tilespmem:$0x1FF90] =	vst v1;
	v1 =	vld.idx.msk [tilespmem:v42+s15+$0x0], $0xffff  }
0x81: {  	v53 =	vadd.f32 v53, v54;
	v42 =	vld.idx.msk [tilespmem:v42+s17+$0x0], $0xffff  }
0x82: {  	v54 =	vld.idx.msk [tilespmem:v31+s16+$0x0], $0xffff;
	v48 =	vadd.f32 v48, v55  }
0x83: {  	v51 =	vmul.f32 v51, v61;
	v31 =	vld.idx.msk [tilespmem:v31+s17+$0x0], $0xffff;
	v52 =	vadd.f32 v52, v53  }
0x84: {  	v44 =	vmul.f32 v44, v61;
	v46 =	vadd.f32 v46, v48;
	v48 =	vld.idx.msk [tilespmem:v63+s15+$0x0], $0xffff  }
0x85: {  	v56 =	vld.idx.msk [tilespmem:v60+s16+$0x0], $0xffff;
	v51 =	vadd.f32 v51, v52;
	v50 =	vmul.f32 v50, v1  }
0x86: {  	v44 =	vadd.f32 v44, v46;
	v1 =	vmul.f32 v42, v1;
	v42 =	vld.idx.msk [tilespmem:v62+s15+$0x0], $0xffff  }
0x87: {  	v52 =	vld.idx.msk [tilespmem:v63+s17+$0x0], $0xffff;
	v63 =	vmul.f32 v54, v58;
	v61 =	vadd.f32 v50, v51  }
0x88: {  	v1 =	vadd.f32 v1, v44;
	v44 =	vld.idx.msk [tilespmem:v60+s15+$0x0], $0xffff  }
0x89: {  	v31 =	vmul.f32 v31, v58;
	v58 =	vld.idx.msk [tilespmem:v60+s17+$0x0], $0xffff;
	v60 =	vmul.f32 v57, v48;
	v46 =	vadd.f32 v63, v61  }
0x8a: {  	v61 =	vld.idx.msk [tilespmem:v59+s15+$0x0], $0xffff  }
0x8b: {  	v49 =	vld.idx.msk [tilespmem:v39+s16+$0x0], $0xffff;
	v2 =	vmul.f32 v2, v42;
	v46 =	vadd.f32 v60, v46  }
0x8c: {  	v1 =	vadd.f32 v31, v1;
	v63 =	vld.idx.msk [tilespmem:v39+s15+$0x0], $0xffff  }
0x8d: {  	v50 =	vld.idx.msk [tilespmem:v62+s17+$0x0], $0xffff;
	v31 =	vmul.f32 v52, v48;
	v52 =	vmul.f32 v56, v44;
	v2 =	vadd.f32 v2, v46  }
0x8e: {  	v55 =	vld.idx.msk [tilespmem:v37+s15+$0x0], $0xffff  }
0x8f: {  	v45 =	vld.idx.msk [tilespmem:v36+s16+$0x0], $0xffff;
	v3 =	vmul.f32 v3, v61;
	v2 =	vadd.f32 v52, v2  }
0x90: {  	v56 =	vld.idx.msk [tilespmem:v36+s15+$0x0], $0xffff  }
0x91: {  	v62 =	vld.idx.msk [tilespmem:v59+s17+$0x0], $0xffff;
	v2 =	vadd.f32 v3, v2;
	v3 =	vmul.f32 v49, v63  }
0x92: {  	v57 =	vld.idx.msk [tilespmem:v35+s15+$0x0], $0xffff;
	v1 =	vadd.f32 v31, v1;
	v31 =	vmul.f32 v50, v42  }
0x93: {  	v39 =	vld.idx.msk [tilespmem:v39+s17+$0x0], $0xffff;
	v2 =	vadd.f32 v3, v2;
	v3 =	vmul.f32 v47, v55  }
0x94: {  	v1 =	vadd.f32 v31, v1;
	v31 =	vmul.f32 v58, v44;
	v58 =	vld.idx.msk [tilespmem:v34+s15+$0x0], $0xffff  }
0x95: {  	v37 =	vld.idx.msk [tilespmem:v37+s17+$0x0], $0xffff;
	v2 =	vadd.f32 v3, v2;
	v3 =	vmul.f32 v45, v56  }
0x96: {  	v59 =	vld.idx.msk [tilespmem:v33+s15+$0x0], $0xffff;
	v1 =	vadd.f32 v31, v1;
	v31 =	vmul.f32 v62, v61  }
0x97: {  	v36 =	vld.idx.msk [tilespmem:v36+s17+$0x0], $0xffff;
	v2 =	vadd.f32 v3, v2;
	v3 =	vmul.f32 v43, v57  }
0x98: {  	v60 =	vld.idx.msk [tilespmem:v32+s15+$0x0], $0xffff;
	v1 =	vadd.f32 v31, v1;
	v31 =	vmul.f32 v39, v63  }
0x99: {  	v35 =	vld.idx.msk [tilespmem:v35+s17+$0x0], $0xffff;
	v2 =	vadd.f32 v3, v2;
	v3 =	vmul.f32 v41, v58  }
0x9a: {  	v61 =	vld.idx.msk [tilespmem:v30+s15+$0x0], $0xffff;
	v1 =	vadd.f32 v31, v1;
	v31 =	vmul.f32 v37, v55  }
0x9b: {  	v34 =	vld.idx.msk [tilespmem:v34+s17+$0x0], $0xffff;
	v2 =	vadd.f32 v3, v2;
	v3 =	vmul.f32 v40, v59  }
0x9c: {  	v62 =	vld.idx.msk [tilespmem:v28+s15+$0x0], $0xffff;
	v1 =	vadd.f32 v31, v1;
	v31 =	vmul.f32 v36, v56  }
0x9d: {  	v33 =	vld.idx.msk [tilespmem:v33+s17+$0x0], $0xffff;
	v2 =	vadd.f32 v3, v2;
	v3 =	vmul.f32 v38, v60  }
0x9e: {  	v63 =	vld.idx.msk [tilespmem:v26+s15+$0x0], $0xffff;
	v1 =	vadd.f32 v31, v1;
	v31 =	vmul.f32 v35, v57  }
0x9f: {  	v32 =	vld.idx.msk [tilespmem:v32+s17+$0x0], $0xffff;
	v2 =	vadd.f32 v3, v2;
	v3 =	vmul.f32 v29, v61  }
0xa0: {  	v1 =	vadd.f32 v31, v1;
	v31 =	vmul.f32 v34, v58;
	v29 =	vld.idx.msk [tilespmem:v24+s15+$0x0], $0xffff  }
0xa1: {  	v30 =	vld.idx.msk [tilespmem:v30+s17+$0x0], $0xffff;
	v2 =	vadd.f32 v3, v2;
	v3 =	vmul.f32 v27, v62  }
0xa2: {  	v1 =	vadd.f32 v31, v1;
	v31 =	vmul.f32 v33, v59;
	v27 =	vld.idx.msk [tilespmem:v22+s15+$0x0], $0xffff  }
0xa3: {  	v28 =	vld.idx.msk [tilespmem:v28+s17+$0x0], $0xffff;
	v2 =	vadd.f32 v3, v2;
	v3 =	vmul.f32 v25, v63  }
0xa4: {  	v1 =	vadd.f32 v31, v1;
	v31 =	vmul.f32 v32, v60;
	v25 =	vld.idx.msk [tilespmem:v20+s15+$0x0], $0xffff  }
0xa5: {  	v26 =	vld.idx.msk [tilespmem:v26+s17+$0x0], $0xffff;
	v2 =	vadd.f32 v3, v2;
	v3 =	vmul.f32 v23, v29  }
0xa6: {  	v30 =	vmul.f32 v30, v61;
	v1 =	vadd.f32 v31, v1;
	v23 =	vld.idx.msk [tilespmem:v18+s15+$0x0], $0xffff  }
0xa7: {  	v24 =	vld.idx.msk [tilespmem:v24+s17+$0x0], $0xffff;
	v2 =	vadd.f32 v3, v2;
	v3 =	vmul.f32 v21, v27  }
0xa8: {  	v28 =	vmul.f32 v28, v62;
	v1 =	vadd.f32 v30, v1;
	v21 =	vld.idx.msk [tilespmem:v16+s15+$0x0], $0xffff  }
0xa9: {  	v22 =	vld.idx.msk [tilespmem:v22+s17+$0x0], $0xffff;
	v2 =	vadd.f32 v3, v2;
	v3 =	vmul.f32 v19, v25  }
0xaa: {  	v26 =	vmul.f32 v26, v63;
	v1 =	vadd.f32 v28, v1;
	v19 =	vld.idx.msk [tilespmem:v14+s15+$0x0], $0xffff  }
0xab: {  	v20 =	vld.idx.msk [tilespmem:v20+s17+$0x0], $0xffff;
	v2 =	vadd.f32 v3, v2;
	v3 =	vmul.f32 v17, v23  }
0xac: {  	v24 =	vmul.f32 v24, v29;
	v1 =	vadd.f32 v26, v1;
	v17 =	vld.idx.msk [tilespmem:v12+s15+$0x0], $0xffff  }
0xad: {  	v18 =	vld.idx.msk [tilespmem:v18+s17+$0x0], $0xffff;
	v2 =	vadd.f32 v3, v2;
	v3 =	vmul.f32 v15, v21  }
0xae: {  	v22 =	vmul.f32 v22, v27;
	v1 =	vadd.f32 v24, v1;
	v15 =	vld.idx.msk [tilespmem:v10+s15+$0x0], $0xffff  }
0xaf: {  	v16 =	vld.idx.msk [tilespmem:v16+s17+$0x0], $0xffff;
	v2 =	vadd.f32 v3, v2;
	v3 =	vmul.f32 v13, v19  }
0xb0: {  	v20 =	vmul.f32 v20, v25;
	v1 =	vadd.f32 v22, v1;
	v13 =	vld.idx.msk [tilespmem:v8+s15+$0x0], $0xffff  }
0xb1: {  	v14 =	vld.idx.msk [tilespmem:v14+s17+$0x0], $0xffff;
	v2 =	vadd.f32 v3, v2;
	v3 =	vmul.f32 v11, v17  }
0xb2: {  	v18 =	vmul.f32 v18, v23;
	v1 =	vadd.f32 v20, v1  }
0xb3: {  	v12 =	vld.idx.msk [tilespmem:v12+s17+$0x0], $0xffff;
	v2 =	vadd.f32 v3, v2;
	v3 =	vmul.f32 v9, v15  }
0xb4: {  	v16 =	vmul.f32 v16, v21;
	v10 =	vld.idx.msk [tilespmem:v10+s17+$0x0], $0xffff;
	v1 =	vadd.f32 v18, v1  }
0xb5: {  	v8 =	vld.idx.msk [tilespmem:v8+s17+$0x0], $0xffff;
	v2 =	vadd.f32 v3, v2;
	v3 =	vmul.f32 v7, v13  }
0xb6: {  	v14 =	vmul.f32 v14, v19;
	v1 =	vadd.f32 v16, v1;
	v11 =	vld.idx.msk [tilespmem:v6+s15+$0x0], $0xffff  }
0xb7: {  	v2 =	vadd.f32 v3, v2;
	v3 =	vld [tilespmem:$0x1FF90]  }
0xb8: {  	v12 =	vmul.f32 v12, v17;
	v1 =	vadd.f32 v14, v1;
	_ =	sdelay $0x1  }
0xb9: {  	v10 =	vmul.f32 v10, v15;
	v1 =	vadd.f32 v12, v1  }
0xba: {  	v6 =	vld.idx.msk [tilespmem:v6+s17+$0x0], $0xffff  }
0xbb: {  	v9 =	vld.idx.msk [tilespmem:v4+s15+$0x0], $0xffff;
	v8 =	vmul.f32 v8, v13;
	v1 =	vadd.f32 v10, v1;
	v3 =	vmul.f32 v3, v11  }
0xbc: {  	s26 =	simm.s32 $0x10;
	v4 =	vld.idx.msk [tilespmem:v4+s17+$0x0], $0xffff  }
0xbd: {  	v1 =	vadd.f32 v8, v1;
	v8 =	vmov s26;
	v2 =	vadd.f32 v3, v2;
	v3 =	vld [tilespmem:$0x1FFA0]  }
0xbe: {  	v7 =	vld.idx.msk [tilespmem:v5+s15+$0x0], $0xffff;
	v8 =	vshll.u32 v8, $0x5  }
0xbf: {  	v45 =	vor.u32 v0, v8;
	v0 =	vld [tilespmem:$0x1FFB0]  }
0xc0: {  	v5 =	vld.idx.msk [tilespmem:v5+s17+$0x0], $0xffff  }
0xc1: {  	v6 =	vmul.f32 v6, v11  }
0xc2: {  	v3 =	vmul.f32 v3, v9  }
0xc3: {  	v4 =	vmul.f32 v4, v9;
	v6 =	vadd.f32 v6, v1  }
0xc4: {  	v8 =	vmul.f32 v0, v7;
	v2 =	vadd.f32 v3, v2  }
0xc5: {  	v5 =	vmul.f32 v5, v7;
	v1 =	vor.u32 $0x1F, v45;
	v4 =	vadd.f32 v4, v6  }
0xc6: {  	v3 =	vor.u32 $0x1E, v45;
	v2 =	vadd.f32 v8, v2  }
0xc7: {  	v10 =	vor.u32 $0x1B, v45;
	v4 =	vadd.f32 v5, v4  }
0xc8: {  	v12 =	vor.u32 $0x1A, v45;
	[tilespmem:s21+$0x0] =	vst v2  }
0xc9: {  	v14 =	vor.u32 $0x19, v45;
	[tilespmem:s22+$0x0] =	vst v4  }
0xca: {  	v16 =	vor.u32 $0x18, v45;
	v63 =	vld.idx.msk [tilespmem:v1+s16+$0x0], $0xffff  }
0xcb: {  	v18 =	vor.u32 $0x17, v45;
	v0 =	vld.idx.msk [tilespmem:v3+s16+$0x0], $0xffff  }
0xcc: {  	v20 =	vor.u32 $0x16, v45;
	v9 =	vld.idx.msk [tilespmem:v10+s16+$0x0], $0xffff  }
0xcd: {  	v22 =	vor.u32 $0x15, v45;
	v11 =	vld.idx.msk [tilespmem:v12+s16+$0x0], $0xffff  }
0xce: {  	v24 =	vor.u32 $0x14, v45;
	v13 =	vld.idx.msk [tilespmem:v14+s16+$0x0], $0xffff  }
0xcf: {  	v26 =	vor.u32 $0x13, v45;
	v15 =	vld.idx.msk [tilespmem:v16+s16+$0x0], $0xffff  }
0xd0: {  	v28 =	vor.u32 $0x12, v45;
	v17 =	vld.idx.msk [tilespmem:v18+s16+$0x0], $0xffff  }
0xd1: {  	v30 =	vor.u32 $0x11, v45;
	v19 =	vld.idx.msk [tilespmem:v20+s16+$0x0], $0xffff  }
0xd2: {  	v32 =	vor.u32 $0x10, v45;
	v21 =	vld.idx.msk [tilespmem:v22+s16+$0x0], $0xffff  }
0xd3: {  	v34 =	vor.u32 $0xF, v45;
	v23 =	vld.idx.msk [tilespmem:v24+s16+$0x0], $0xffff  }
0xd4: {  	v36 =	vor.u32 $0xE, v45;
	v25 =	vld.idx.msk [tilespmem:v26+s16+$0x0], $0xffff  }
0xd5: {  	v6 =	vor.u32 $0x1D, v45;
	v27 =	vld.idx.msk [tilespmem:v28+s16+$0x0], $0xffff  }
0xd6: {  	v38 =	vor.u32 $0xD, v45;
	v29 =	vld.idx.msk [tilespmem:v30+s16+$0x0], $0xffff  }
0xd7: {  	v40 =	vor.u32 $0xC, v45;
	v31 =	vld.idx.msk [tilespmem:v32+s16+$0x0], $0xffff  }
0xd8: {  	v42 =	vor.u32 $0xB, v45;
	v33 =	vld.idx.msk [tilespmem:v34+s16+$0x0], $0xffff  }
0xd9: {  	v44 =	vor.u32 $0xA, v45;
	v35 =	vld.idx.msk [tilespmem:v36+s16+$0x0], $0xffff  }
0xda: {  	v8 =	vor.u32 $0x1C, v45;
	[tilespmem:$0x1FFC0] =	vst v0;
	v0 =	vld.idx.msk [tilespmem:v6+s16+$0x0], $0xffff  }
0xdb: {  	v47 =	vor.u32 $0x9, v45;
	v37 =	vld.idx.msk [tilespmem:v38+s16+$0x0], $0xffff  }
0xdc: {  	v49 =	vor.u32 $0x8, v45;
	v39 =	vld.idx.msk [tilespmem:v40+s16+$0x0], $0xffff  }
0xdd: {  	v51 =	vor.u32 $0x7, v45;
	v41 =	vld.idx.msk [tilespmem:v42+s16+$0x0], $0xffff  }
0xde: {  	v53 =	vor.u32 $0x6, v45;
	v43 =	vld.idx.msk [tilespmem:v44+s16+$0x0], $0xffff  }
0xdf: {  	v55 =	vor.u32 $0x5, v45;
	[tilespmem:$0x1FFD0] =	vst v0;
	v0 =	vld.idx.msk [tilespmem:v8+s16+$0x0], $0xffff  }
0xe0: {  	v46 =	vld.idx.msk [tilespmem:v47+s16+$0x0], $0xffff  }
0xe1: {  	v48 =	vld.idx.msk [tilespmem:v49+s16+$0x0], $0xffff  }
0xe2: {  	v50 =	vld.idx.msk [tilespmem:v51+s16+$0x0], $0xffff  }
0xe3: {  	v56 =	vor.u32 $0x4, v45;
	v52 =	vld.idx.msk [tilespmem:v53+s16+$0x0], $0xffff  }
0xe4: {  	s24 =	simm.s32 $0xC800;
	s25 =	simm.s32 $0xC600;
	s26 =	simm.s32 $0x20;
	v57 =	vor.u32 $0x3, v45;
	v58 =	vor.u32 $0x2, v45;
	v59 =	vor.u32 $0x1, v45;
	v54 =	vld.idx.msk [tilespmem:v55+s16+$0x0], $0xffff;
	[tilespmem:$0x1FFE0] =	vst v0  }
.LBB2_2:
0xe5: {  	_ =	sdelay $0x2  }
0xe6: {  	v60 =	vld.idx.msk [tilespmem:v56+s16+$0x0], $0xffff  }
0xe7: {  	v61 =	vld.idx.msk [tilespmem:v57+s16+$0x0], $0xffff  }
0xe8: {  	v62 =	vld.idx.msk [tilespmem:v58+s16+$0x0], $0xffff  }
0xe9: {  	v0 =	vld.idx.msk [tilespmem:v45+s16+$0x0], $0xffff  }
0xea: {  	v2 =	vld.idx.msk [tilespmem:v45+s15+$0x0], $0xffff  }
0xeb: {  	v45 =	vld.idx.msk [tilespmem:v45+s17+$0x0], $0xffff  }
0xec: {  	v4 =	vld.idx.msk [tilespmem:v59+s15+$0x0], $0xffff  }
0xed: {  	[tilespmem:$0x1FF80] =	vst v63;
	v63 =	vld.idx.msk [tilespmem:v59+s16+$0x0], $0xffff  }
0xee: {  	v59 =	vld.idx.msk [tilespmem:v59+s17+$0x0], $0xffff  }
0xef: {  	v5 =	vld.idx.msk [tilespmem:v58+s15+$0x0], $0xffff  }
0xf0: {  	v58 =	vld.idx.msk [tilespmem:v58+s17+$0x0], $0xffff;
	v0 =	vmul.f32 v0, v2  }
0xf1: {  	v7 =	vld.idx.msk [tilespmem:v57+s15+$0x0], $0xffff;
	v2 =	vmul.f32 v45, v2  }
0xf2: {  	v45 =	vld.idx.msk [tilespmem:v57+s17+$0x0], $0xffff;
	v0 =	vadd.f32 $0.0e+00, v0;
	v57 =	vmul.f32 v63, v4  }
0xf3: {  	v2 =	vadd.f32 $0.0e+00, v2;
	v63 =	vld.idx.msk [tilespmem:v56+s15+$0x0], $0xffff;
	v4 =	vmul.f32 v59, v4  }
0xf4: {  	v62 =	vmul.f32 v62, v5;
	v56 =	vld.idx.msk [tilespmem:v56+s17+$0x0], $0xffff;
	v0 =	vadd.f32 v57, v0  }
0xf5: {  	v59 =	vld.idx.msk [tilespmem:v55+s15+$0x0], $0xffff;
	v2 =	vadd.f32 v4, v2;
	v4 =	vmul.f32 v58, v5  }
0xf6: {  	v5 =	vld.idx.msk [tilespmem:v55+s17+$0x0], $0xffff;
	v0 =	vadd.f32 v62, v0;
	v62 =	vmul.f32 v61, v7  }
0xf7: {  	v57 =	vld.idx.msk [tilespmem:v53+s15+$0x0], $0xffff;
	v2 =	vadd.f32 v4, v2;
	v4 =	vmul.f32 v45, v7  }
0xf8: {  	v7 =	vld.idx.msk [tilespmem:v53+s17+$0x0], $0xffff;
	v58 =	vmul.f32 v60, v63;
	v0 =	vadd.f32 v62, v0  }
0xf9: {  	v60 =	vld.idx.msk [tilespmem:v51+s15+$0x0], $0xffff;
	v2 =	vadd.f32 v4, v2;
	v4 =	vmul.f32 v56, v63  }
0xfa: {  	v61 =	vld.idx.msk [tilespmem:v51+s17+$0x0], $0xffff;
	v62 =	vmul.f32 v54, v59;
	v0 =	vadd.f32 v58, v0  }
0xfb: {  	v63 =	vld.idx.msk [tilespmem:v49+s15+$0x0], $0xffff;
	v2 =	vadd.f32 v4, v2;
	v4 =	vmul.f32 v5, v59  }
0xfc: {  	v55 =	vmul.f32 v52, v57;
	v5 =	vld.idx.msk [tilespmem:v49+s17+$0x0], $0xffff;
	v0 =	vadd.f32 v62, v0  }
0xfd: {  	v56 =	vld.idx.msk [tilespmem:v47+s15+$0x0], $0xffff;
	v2 =	vadd.f32 v4, v2;
	v4 =	vmul.f32 v7, v57  }
0xfe: {  	v7 =	vld.idx.msk [tilespmem:v47+s17+$0x0], $0xffff;
	v58 =	vmul.f32 v50, v60;
	v0 =	vadd.f32 v55, v0  }
0xff: {  	v59 =	vld.idx.msk [tilespmem:v44+s15+$0x0], $0xffff;
	v2 =	vadd.f32 v4, v2;
	v4 =	vmul.f32 v61, v60  }
0x100: {  	v60 =	vld.idx.msk [tilespmem:v44+s17+$0x0], $0xffff;
	v61 =	vmul.f32 v48, v63;
	v0 =	vadd.f32 v58, v0  }
0x101: {  	v62 =	vld.idx.msk [tilespmem:v42+s15+$0x0], $0xffff;
	v2 =	vadd.f32 v4, v2;
	v4 =	vmul.f32 v5, v63  }
0x102: {  	v5 =	vld.idx.msk [tilespmem:v42+s17+$0x0], $0xffff;
	v63 =	vmul.f32 v46, v56;
	v0 =	vadd.f32 v61, v0  }
0x103: {  	v50 =	vld.idx.msk [tilespmem:v40+s15+$0x0], $0xffff;
	v2 =	vadd.f32 v4, v2;
	v4 =	vmul.f32 v7, v56  }
0x104: {  	v51 =	vmul.f32 v43, v59;
	v7 =	vld.idx.msk [tilespmem:v40+s17+$0x0], $0xffff;
	v0 =	vadd.f32 v63, v0  }
0x105: {  	v52 =	vld.idx.msk [tilespmem:v38+s15+$0x0], $0xffff;
	v2 =	vadd.f32 v4, v2;
	v4 =	vmul.f32 v60, v59  }
0x106: {  	v53 =	vld.idx.msk [tilespmem:v38+s17+$0x0], $0xffff;
	v54 =	vmul.f32 v41, v62;
	v0 =	vadd.f32 v51, v0  }
0x107: {  	v55 =	vld.idx.msk [tilespmem:v36+s15+$0x0], $0xffff;
	v2 =	vadd.f32 v4, v2;
	v4 =	vmul.f32 v5, v62  }
0x108: {  	v56 =	vmul.f32 v39, v50;
	v5 =	vld.idx.msk [tilespmem:v36+s17+$0x0], $0xffff;
	v0 =	vadd.f32 v54, v0  }
0x109: {  	v57 =	vld.idx.msk [tilespmem:v34+s15+$0x0], $0xffff;
	v2 =	vadd.f32 v4, v2;
	v4 =	vmul.f32 v7, v50  }
0x10a: {  	v58 =	vmul.f32 v37, v52;
	v7 =	vld.idx.msk [tilespmem:v34+s17+$0x0], $0xffff;
	v0 =	vadd.f32 v56, v0  }
0x10b: {  	v59 =	vld.idx.msk [tilespmem:v32+s15+$0x0], $0xffff;
	v2 =	vadd.f32 v4, v2;
	v4 =	vmul.f32 v53, v52  }
0x10c: {  	v61 =	vmul.f32 v35, v55;
	v60 =	vld.idx.msk [tilespmem:v32+s17+$0x0], $0xffff;
	v0 =	vadd.f32 v58, v0  }
0x10d: {  	v62 =	vld.idx.msk [tilespmem:v30+s15+$0x0], $0xffff;
	v2 =	vadd.f32 v4, v2;
	v4 =	vmul.f32 v5, v55  }
0x10e: {  	v5 =	vld.idx.msk [tilespmem:v30+s17+$0x0], $0xffff;
	v30 =	vmul.f32 v33, v57;
	v0 =	vadd.f32 v61, v0  }
0x10f: {  	v63 =	vld.idx.msk [tilespmem:v28+s15+$0x0], $0xffff;
	v2 =	vadd.f32 v4, v2;
	v4 =	vmul.f32 v7, v57  }
0x110: {  	v7 =	vld.idx.msk [tilespmem:v28+s17+$0x0], $0xffff;
	v28 =	vmul.f32 v31, v59;
	v0 =	vadd.f32 v30, v0  }
0x111: {  	v30 =	vld.idx.msk [tilespmem:v26+s15+$0x0], $0xffff;
	v2 =	vadd.f32 v4, v2;
	v4 =	vmul.f32 v60, v59  }
0x112: {  	v26 =	vld.idx.msk [tilespmem:v26+s17+$0x0], $0xffff;
	v0 =	vadd.f32 v28, v0;
	v28 =	vmul.f32 v29, v62  }
0x113: {  	v29 =	vld.idx.msk [tilespmem:v24+s15+$0x0], $0xffff;
	v2 =	vadd.f32 v4, v2;
	v4 =	vmul.f32 v5, v62  }
0x114: {  	v5 =	vld.idx.msk [tilespmem:v24+s17+$0x0], $0xffff;
	v24 =	vmul.f32 v27, v63;
	v0 =	vadd.f32 v28, v0  }
0x115: {  	v27 =	vld.idx.msk [tilespmem:v22+s15+$0x0], $0xffff;
	v2 =	vadd.f32 v4, v2;
	v4 =	vmul.f32 v7, v63  }
0x116: {  	v7 =	vld.idx.msk [tilespmem:v22+s17+$0x0], $0xffff;
	v22 =	vmul.f32 v25, v30;
	v0 =	vadd.f32 v24, v0  }
0x117: {  	v24 =	vld.idx.msk [tilespmem:v20+s15+$0x0], $0xffff;
	v2 =	vadd.f32 v4, v2;
	v4 =	vmul.f32 v26, v30  }
0x118: {  	v20 =	vld.idx.msk [tilespmem:v20+s17+$0x0], $0xffff;
	v0 =	vadd.f32 v22, v0;
	v22 =	vmul.f32 v23, v29  }
0x119: {  	v23 =	vld.idx.msk [tilespmem:v18+s15+$0x0], $0xffff;
	v2 =	vadd.f32 v4, v2;
	v4 =	vmul.f32 v5, v29  }
0x11a: {  	v5 =	vld.idx.msk [tilespmem:v18+s17+$0x0], $0xffff;
	v18 =	vmul.f32 v21, v27;
	v0 =	vadd.f32 v22, v0  }
0x11b: {  	v21 =	vld.idx.msk [tilespmem:v16+s15+$0x0], $0xffff;
	v2 =	vadd.f32 v4, v2;
	v4 =	vmul.f32 v7, v27  }
0x11c: {  	v7 =	vld.idx.msk [tilespmem:v16+s17+$0x0], $0xffff;
	v16 =	vmul.f32 v19, v24;
	v0 =	vadd.f32 v18, v0  }
0x11d: {  	v18 =	vld.idx.msk [tilespmem:v14+s15+$0x0], $0xffff;
	v2 =	vadd.f32 v4, v2;
	v4 =	vmul.f32 v20, v24  }
0x11e: {  	v14 =	vld.idx.msk [tilespmem:v14+s17+$0x0], $0xffff;
	v0 =	vadd.f32 v16, v0;
	v16 =	vmul.f32 v17, v23  }
0x11f: {  	v17 =	vld.idx.msk [tilespmem:v12+s15+$0x0], $0xffff;
	v2 =	vadd.f32 v4, v2;
	v4 =	vmul.f32 v5, v23  }
0x120: {  	v5 =	vld.idx.msk [tilespmem:v12+s17+$0x0], $0xffff;
	v12 =	vmul.f32 v15, v21;
	v0 =	vadd.f32 v16, v0  }
0x121: {  	v15 =	vld.idx.msk [tilespmem:v10+s15+$0x0], $0xffff;
	v2 =	vadd.f32 v4, v2;
	v4 =	vmul.f32 v7, v21  }
0x122: {  	v7 =	vld.idx.msk [tilespmem:v10+s17+$0x0], $0xffff;
	v10 =	vmul.f32 v13, v18;
	v0 =	vadd.f32 v12, v0  }
0x123: {  	v12 =	vld.idx.msk [tilespmem:v8+s15+$0x0], $0xffff;
	v2 =	vadd.f32 v4, v2;
	v4 =	vmul.f32 v14, v18  }
0x124: {  	v8 =	vld.idx.msk [tilespmem:v8+s17+$0x0], $0xffff;
	v0 =	vadd.f32 v10, v0;
	v10 =	vmul.f32 v11, v17  }
0x125: {  	v11 =	vld.idx.msk [tilespmem:v6+s15+$0x0], $0xffff;
	v2 =	vadd.f32 v4, v2;
	v4 =	vmul.f32 v5, v17  }
0x126: {  	v5 =	vld.idx.msk [tilespmem:v6+s17+$0x0], $0xffff;
	v6 =	vmul.f32 v9, v15;
	v0 =	vadd.f32 v10, v0  }
0x127: {  	v2 =	vadd.f32 v4, v2;
	v4 =	vmul.f32 v7, v15;
	v7 =	vld.idx.msk [tilespmem:v1+s15+$0x0], $0xffff  }
0x128: {  	v0 =	vadd.f32 v6, v0;
	v6 =	vld [tilespmem:$0x1FFE0]  }
0x129: {  	v2 =	vadd.f32 v4, v2;
	v4 =	vmul.f32 v8, v12;
	v8 =	vld.idx.msk [tilespmem:v1+s17+$0x0], $0xffff  }
0x12a: {  	v1 =	vld [tilespmem:$0x1FFD0];
	_ =	sdelay $0x2  }
0x12b: {  	v6 =	vmul.f32 v6, v12;
	_ =	sdelay $0x1  }
0x12c: {  	v1 =	vmul.f32 v1, v11;
	v0 =	vadd.f32 v6, v0  }
0x12d: {  	v9 =	vld.idx.msk [tilespmem:v3+s15+$0x0], $0xffff  }
0x12e: {  	v0 =	vadd.f32 v1, v0;
	v1 =	vld [tilespmem:$0x1FFC0];
	_ =	sdelay $0x3  }
0x12f: {  	v2 =	vadd.f32 v4, v2;
	v4 =	vmul.f32 v5, v11  }
0x130: {  	v3 =	vld.idx.msk [tilespmem:v3+s17+$0x0], $0xffff;
	v1 =	vmul.f32 v1, v9  }
0x131: {  	v2 =	vadd.f32 v4, v2;
	v4 =	vld [tilespmem:$0x1FFF0]  }
0x132: {  	v0 =	vadd.f32 v1, v0;
	v1 =	vld [tilespmem:$0x1FF80];
	_ =	sdelay $0x2  }
0x133: {  	v5 =	vmov s26  }
0x134: {  	v3 =	vmul.f32 v3, v9;
	v5 =	vshll.u32 v5, $0x5  }
0x135: {  	v45 =	vor.u32 v4, v5;
	v4 =	vmul.f32 v1, v7  }
0x136: {  	v2 =	vadd.f32 v3, v2;
	v5 =	vmul.f32 v8, v7;
	v1 =	vor.u32 $0x1F, v45  }
0x137: {  	v3 =	vor.u32 $0x1E, v45;
	v0 =	vadd.f32 v4, v0  }
0x138: {  	s25 =	sadd.s32 $0x10, s25;
	v10 =	vor.u32 $0x1B, v45;
	v2 =	vadd.f32 v5, v2  }
0x139: {  	s24 =	sadd.s32 $0x10, s24;
	v12 =	vor.u32 $0x1A, v45;
	[tilespmem:s25+$0x0] =	vst v0  }
0x13a: {  	v14 =	vor.u32 $0x19, v45;
	[tilespmem:s24+$0x0] =	vst v2  }
0x13b: {  	v16 =	vor.u32 $0x18, v45;
	v63 =	vld.idx.msk [tilespmem:v1+s16+$0x0], $0xffff  }
0x13c: {  	v18 =	vor.u32 $0x17, v45;
	v0 =	vld.idx.msk [tilespmem:v3+s16+$0x0], $0xffff  }
0x13d: {  	v20 =	vor.u32 $0x16, v45;
	v9 =	vld.idx.msk [tilespmem:v10+s16+$0x0], $0xffff  }
0x13e: {  	v22 =	vor.u32 $0x15, v45;
	v11 =	vld.idx.msk [tilespmem:v12+s16+$0x0], $0xffff  }
0x13f: {  	v24 =	vor.u32 $0x14, v45;
	v13 =	vld.idx.msk [tilespmem:v14+s16+$0x0], $0xffff  }
0x140: {  	v26 =	vor.u32 $0x13, v45;
	v15 =	vld.idx.msk [tilespmem:v16+s16+$0x0], $0xffff  }
0x141: {  	v28 =	vor.u32 $0x12, v45;
	v17 =	vld.idx.msk [tilespmem:v18+s16+$0x0], $0xffff  }
0x142: {  	v30 =	vor.u32 $0x11, v45;
	v19 =	vld.idx.msk [tilespmem:v20+s16+$0x0], $0xffff  }
0x143: {  	v32 =	vor.u32 $0x10, v45;
	v21 =	vld.idx.msk [tilespmem:v22+s16+$0x0], $0xffff  }
0x144: {  	v34 =	vor.u32 $0xF, v45;
	v23 =	vld.idx.msk [tilespmem:v24+s16+$0x0], $0xffff  }
0x145: {  	v36 =	vor.u32 $0xE, v45;
	v25 =	vld.idx.msk [tilespmem:v26+s16+$0x0], $0xffff  }
0x146: {  	v6 =	vor.u32 $0x1D, v45;
	v27 =	vld.idx.msk [tilespmem:v28+s16+$0x0], $0xffff  }
0x147: {  	v38 =	vor.u32 $0xD, v45;
	v29 =	vld.idx.msk [tilespmem:v30+s16+$0x0], $0xffff  }
0x148: {  	v40 =	vor.u32 $0xC, v45;
	v31 =	vld.idx.msk [tilespmem:v32+s16+$0x0], $0xffff  }
0x149: {  	v42 =	vor.u32 $0xB, v45;
	v33 =	vld.idx.msk [tilespmem:v34+s16+$0x0], $0xffff  }
0x14a: {  	v44 =	vor.u32 $0xA, v45;
	v35 =	vld.idx.msk [tilespmem:v36+s16+$0x0], $0xffff  }
0x14b: {  	v8 =	vor.u32 $0x1C, v45;
	[tilespmem:$0x1FFC0] =	vst v0;
	v0 =	vld.idx.msk [tilespmem:v6+s16+$0x0], $0xffff  }
0x14c: {  	v47 =	vor.u32 $0x9, v45;
	v37 =	vld.idx.msk [tilespmem:v38+s16+$0x0], $0xffff  }
0x14d: {  	v49 =	vor.u32 $0x8, v45;
	v39 =	vld.idx.msk [tilespmem:v40+s16+$0x0], $0xffff  }
0x14e: {  	v51 =	vor.u32 $0x7, v45;
	v41 =	vld.idx.msk [tilespmem:v42+s16+$0x0], $0xffff  }
0x14f: {  	v53 =	vor.u32 $0x6, v45;
	v43 =	vld.idx.msk [tilespmem:v44+s16+$0x0], $0xffff  }
0x150: {  	p0 =	sne.s32 s26, $0x1F0;
	v55 =	vor.u32 $0x5, v45;
	[tilespmem:$0x1FFD0] =	vst v0;
	v0 =	vld.idx.msk [tilespmem:v8+s16+$0x0], $0xffff  }
.Ltmp0:
0x151: {  	v46 =	vld.idx.msk [tilespmem:v47+s16+$0x0], $0xffff;
	(pc) =	sbr.rel @p0 .LBB2_2-.Ltmp0, $4  }
0x152: {  	v48 =	vld.idx.msk [tilespmem:v49+s16+$0x0], $0xffff  }
0x153: {  	v50 =	vld.idx.msk [tilespmem:v51+s16+$0x0], $0xffff  }
0x154: {  	v56 =	vor.u32 $0x4, v45;
	v52 =	vld.idx.msk [tilespmem:v53+s16+$0x0], $0xffff  }
0x155: {  	s26 =	sadd.s32 $0x10, s26;
	v57 =	vor.u32 $0x3, v45;
	v58 =	vor.u32 $0x2, v45;
	v59 =	vor.u32 $0x1, v45;
	v54 =	vld.idx.msk [tilespmem:v55+s16+$0x0], $0xffff;
	[tilespmem:$0x1FFE0] =	vst v0  }
0x156: {  	_ =	sdelay $0x3  }
0x157: {  	v0 =	vld.idx.msk [tilespmem:v58+s16+$0x0], $0xffff  }
0x158: {  	v2 =	vld.idx.msk [tilespmem:v59+s16+$0x0], $0xffff  }
0x159: {  	v4 =	vld.idx.msk [tilespmem:v45+s16+$0x0], $0xffff  }
0x15a: {  	v5 =	vld.idx.msk [tilespmem:v45+s15+$0x0], $0xffff  }
0x15b: {  	v7 =	vld.idx.msk [tilespmem:v45+s17+$0x0], $0xffff  }
0x15c: {  	v45 =	vld.idx.msk [tilespmem:v59+s15+$0x0], $0xffff  }
0x15d: {  	v59 =	vld.idx.msk [tilespmem:v59+s17+$0x0], $0xffff  }
0x15e: {  	v60 =	vld.idx.msk [tilespmem:v58+s15+$0x0], $0xffff  }
0x15f: {  	v58 =	vld.idx.msk [tilespmem:v58+s17+$0x0], $0xffff  }
0x160: {  	v61 =	vld.idx.msk [tilespmem:v57+s16+$0x0], $0xffff  }
0x161: {  	v62 =	vld.idx.msk [tilespmem:v57+s15+$0x0], $0xffff  }
0x162: {  	v4 =	vmul.f32 v4, v5;
	v5 =	vmul.f32 v7, v5;
	v7 =	vld.idx.msk [tilespmem:v57+s17+$0x0], $0xffff  }
0x163: {  	v57 =	vld.idx.msk [tilespmem:v56+s16+$0x0], $0xffff  }
0x164: {  	v2 =	vmul.f32 v2, v45;
	v45 =	vmul.f32 v59, v45;
	v59 =	vld.idx.msk [tilespmem:v56+s15+$0x0], $0xffff;
	v4 =	vadd.f32 $0.0e+00, v4  }
0x165: {  	v0 =	vmul.f32 v0, v60;
	v60 =	vmul.f32 v58, v60;
	v58 =	vld.idx.msk [tilespmem:v53+s17+$0x0], $0xffff  }
0x166: {  	v5 =	vadd.f32 $0.0e+00, v5;
	v2 =	vadd.f32 v2, v4;
	v4 =	vld.idx.msk [tilespmem:v56+s17+$0x0], $0xffff  }
0x167: {  	v56 =	vld.idx.msk [tilespmem:v55+s15+$0x0], $0xffff  }
0x168: {  	v5 =	vadd.f32 v45, v5;
	v45 =	vld.idx.msk [tilespmem:v53+s15+$0x0], $0xffff  }
0x169: {  	v61 =	vmul.f32 v61, v62;
	v7 =	vmul.f32 v7, v62;
	v62 =	vld.idx.msk [tilespmem:v51+s17+$0x0], $0xffff  }
0x16a: {  	v0 =	vadd.f32 v0, v2;
	v2 =	vld.idx.msk [tilespmem:v55+s17+$0x0], $0xffff  }
0x16b: {  	v5 =	vadd.f32 v60, v5;
	v55 =	vld.idx.msk [tilespmem:v40+s17+$0x0], $0xffff  }
0x16c: {  	v60 =	vmul.f32 v57, v59;
	v0 =	vadd.f32 v61, v0;
	v61 =	vld.idx.msk [tilespmem:v51+s15+$0x0], $0xffff  }
0x16d: {  	v5 =	vadd.f32 v7, v5;
	v51 =	vld.idx.msk [tilespmem:v42+s15+$0x0], $0xffff;
	v4 =	vmul.f32 v4, v59  }
0x16e: {  	v54 =	vmul.f32 v54, v56;
	v57 =	vmul.f32 v58, v45;
	v58 =	vld.idx.msk [tilespmem:v47+s15+$0x0], $0xffff;
	v0 =	vadd.f32 v60, v0  }
0x16f: {  	v4 =	vadd.f32 v4, v5;
	v2 =	vmul.f32 v2, v56;
	v5 =	vld.idx.msk [tilespmem:v49+s15+$0x0], $0xffff  }
0x170: {  	v52 =	vmul.f32 v52, v45;
	v56 =	vld.idx.msk [tilespmem:v49+s17+$0x0], $0xffff;
	v0 =	vadd.f32 v54, v0  }
0x171: {  	v59 =	vld.idx.msk [tilespmem:v47+s17+$0x0], $0xffff;
	v2 =	vadd.f32 v2, v4  }
0x172: {  	v45 =	vld.idx.msk [tilespmem:v34+s17+$0x0], $0xffff;
	v50 =	vmul.f32 v50, v61;
	v0 =	vadd.f32 v52, v0  }
0x173: {  	v60 =	vmul.f32 v62, v61;
	v61 =	vld.idx.msk [tilespmem:v44+s15+$0x0], $0xffff;
	v2 =	vadd.f32 v57, v2  }
0x174: {  	v62 =	vld.idx.msk [tilespmem:v44+s17+$0x0], $0xffff;
	v0 =	vadd.f32 v50, v0;
	v48 =	vmul.f32 v48, v5  }
0x175: {  	v47 =	vld.idx.msk [tilespmem:v32+s15+$0x0], $0xffff;
	v50 =	vmul.f32 v56, v5;
	v2 =	vadd.f32 v60, v2  }
0x176: {  	v52 =	vld.idx.msk [tilespmem:v42+s17+$0x0], $0xffff;
	v46 =	vmul.f32 v46, v58;
	v0 =	vadd.f32 v48, v0  }
0x177: {  	v54 =	vld.idx.msk [tilespmem:v40+s15+$0x0], $0xffff;
	v53 =	vmul.f32 v59, v58;
	v2 =	vadd.f32 v50, v2  }
0x178: {  	v44 =	vld.idx.msk [tilespmem:v34+s15+$0x0], $0xffff;
	v43 =	vmul.f32 v43, v61;
	v0 =	vadd.f32 v46, v0  }
0x179: {  	v57 =	vld.idx.msk [tilespmem:v38+s15+$0x0], $0xffff;
	v56 =	vmul.f32 v62, v61;
	v2 =	vadd.f32 v53, v2  }
0x17a: {  	v41 =	vmul.f32 v41, v51;
	v58 =	vld.idx.msk [tilespmem:v38+s17+$0x0], $0xffff;
	v0 =	vadd.f32 v43, v0  }
0x17b: {  	v60 =	vld.idx.msk [tilespmem:v36+s15+$0x0], $0xffff;
	v59 =	vmul.f32 v52, v51;
	v2 =	vadd.f32 v56, v2  }
0x17c: {  	v39 =	vmul.f32 v39, v54;
	v61 =	vld.idx.msk [tilespmem:v36+s17+$0x0], $0xffff;
	v0 =	vadd.f32 v41, v0  }
0x17d: {  	v42 =	vld.idx.msk [tilespmem:v14+s17+$0x0], $0xffff;
	v62 =	vmul.f32 v55, v54;
	v2 =	vadd.f32 v59, v2  }
0x17e: {  	v38 =	vld.idx.msk [tilespmem:v16+s15+$0x0], $0xffff;
	v37 =	vmul.f32 v37, v57;
	v0 =	vadd.f32 v39, v0  }
0x17f: {  	v48 =	vld.idx.msk [tilespmem:v32+s17+$0x0], $0xffff;
	v46 =	vmul.f32 v58, v57;
	v2 =	vadd.f32 v62, v2  }
0x180: {  	v54 =	vld.idx.msk [tilespmem:v28+s17+$0x0], $0xffff;
	v35 =	vmul.f32 v35, v60;
	v0 =	vadd.f32 v37, v0  }
0x181: {  	v50 =	vld.idx.msk [tilespmem:v30+s15+$0x0], $0xffff;
	v49 =	vmul.f32 v61, v60;
	v2 =	vadd.f32 v46, v2  }
0x182: {  	v33 =	vmul.f32 v33, v44;
	v51 =	vld.idx.msk [tilespmem:v30+s17+$0x0], $0xffff;
	v0 =	vadd.f32 v35, v0  }
0x183: {  	v52 =	vmul.f32 v45, v44;
	v53 =	vld.idx.msk [tilespmem:v28+s15+$0x0], $0xffff;
	v2 =	vadd.f32 v49, v2  }
0x184: {  	v31 =	vmul.f32 v31, v47;
	v32 =	vld.idx.msk [tilespmem:v20+s15+$0x0], $0xffff;
	v0 =	vadd.f32 v33, v0  }
0x185: {  	v55 =	vmul.f32 v48, v47;
	v56 =	vld.idx.msk [tilespmem:v26+s15+$0x0], $0xffff;
	v2 =	vadd.f32 v52, v2  }
0x186: {  	v57 =	vld.idx.msk [tilespmem:v26+s17+$0x0], $0xffff;
	v29 =	vmul.f32 v29, v50;
	v0 =	vadd.f32 v31, v0  }
0x187: {  	v58 =	vmul.f32 v51, v50;
	v59 =	vld.idx.msk [tilespmem:v24+s15+$0x0], $0xffff;
	v2 =	vadd.f32 v55, v2  }
0x188: {  	v60 =	vld.idx.msk [tilespmem:v24+s17+$0x0], $0xffff;
	v27 =	vmul.f32 v27, v53;
	v0 =	vadd.f32 v29, v0  }
0x189: {  	v61 =	vmul.f32 v54, v53;
	v62 =	vld.idx.msk [tilespmem:v22+s15+$0x0], $0xffff;
	v2 =	vadd.f32 v58, v2  }
0x18a: {  	v30 =	vld.idx.msk [tilespmem:v22+s17+$0x0], $0xffff;
	v25 =	vmul.f32 v25, v56;
	v0 =	vadd.f32 v27, v0  }
0x18b: {  	v36 =	vld.idx.msk [tilespmem:v18+s17+$0x0], $0xffff;
	v31 =	vmul.f32 v57, v56;
	v2 =	vadd.f32 v61, v2  }
0x18c: {  	v23 =	vmul.f32 v23, v59;
	v33 =	vld.idx.msk [tilespmem:v20+s17+$0x0], $0xffff;
	v0 =	vadd.f32 v25, v0  }
0x18d: {  	v34 =	vmul.f32 v60, v59;
	v35 =	vld.idx.msk [tilespmem:v18+s15+$0x0], $0xffff;
	v2 =	vadd.f32 v31, v2  }
0x18e: {  	v44 =	vld.idx.msk [tilespmem:v12+s15+$0x0], $0xffff;
	v21 =	vmul.f32 v21, v62;
	v0 =	vadd.f32 v23, v0  }
0x18f: {  	v45 =	vld.idx.msk [tilespmem:v12+s17+$0x0], $0xffff;
	v37 =	vmul.f32 v30, v62;
	v2 =	vadd.f32 v34, v2  }
0x190: {  	v19 =	vmul.f32 v19, v32;
	v39 =	vld.idx.msk [tilespmem:v16+s17+$0x0], $0xffff;
	v0 =	vadd.f32 v21, v0  }
0x191: {  	v41 =	vld.idx.msk [tilespmem:v14+s15+$0x0], $0xffff;
	v40 =	vmul.f32 v33, v32;
	v2 =	vadd.f32 v37, v2  }
0x192: {  	v47 =	vld.idx.msk [tilespmem:v10+s15+$0x0], $0xffff;
	v17 =	vmul.f32 v17, v35;
	v0 =	vadd.f32 v19, v0  }
0x193: {  	v48 =	vld.idx.msk [tilespmem:v10+s17+$0x0], $0xffff;
	v43 =	vmul.f32 v36, v35;
	v2 =	vadd.f32 v40, v2  }
0x194: {  	v15 =	vmul.f32 v15, v38;
	v50 =	vld.idx.msk [tilespmem:v8+s15+$0x0], $0xffff;
	v0 =	vadd.f32 v17, v0  }
0x195: {  	v51 =	vld.idx.msk [tilespmem:v8+s17+$0x0], $0xffff;
	v46 =	vmul.f32 v39, v38;
	v2 =	vadd.f32 v43, v2  }
0x196: {  	v53 =	vld.idx.msk [tilespmem:v6+s15+$0x0], $0xffff;
	v13 =	vmul.f32 v13, v41;
	v0 =	vadd.f32 v15, v0  }
0x197: {  	v49 =	vmul.f32 v42, v41;
	v57 =	vld [tilespmem:$0x1FFE0];
	v2 =	vadd.f32 v46, v2  }
0x198: {  	v11 =	vmul.f32 v11, v44;
	v54 =	vld.idx.msk [tilespmem:v6+s17+$0x0], $0xffff;
	v0 =	vadd.f32 v13, v0  }
0x199: {  	v60 =	vld [tilespmem:$0x1FFD0];
	v52 =	vmul.f32 v45, v44;
	v2 =	vadd.f32 v49, v2  }
0x19a: {  	v9 =	vmul.f32 v9, v47;
	v62 =	vld [tilespmem:$0x1FFC0];
	v0 =	vadd.f32 v11, v0  }
0x19b: {  	v56 =	vld.idx.msk [tilespmem:v3+s15+$0x0], $0xffff;
	v55 =	vmul.f32 v48, v47;
	v2 =	vadd.f32 v52, v2  }
0x19c: {  	v3 =	vld.idx.msk [tilespmem:v3+s17+$0x0], $0xffff;
	v0 =	vadd.f32 v9, v0;
	v9 =	vmul.f32 v57, v50  }
0x19d: {  	v59 =	vld.idx.msk [tilespmem:v1+s15+$0x0], $0xffff;
	v58 =	vmul.f32 v51, v50;
	v2 =	vadd.f32 v55, v2  }
0x19e: {  	v1 =	vld.idx.msk [tilespmem:v1+s17+$0x0], $0xffff;
	v8 =	vmul.f32 v60, v53;
	v0 =	vadd.f32 v9, v0  }
0x19f: {  	v61 =	vmul.f32 v54, v53;
	v2 =	vadd.f32 v58, v2  }
0x1a0: {  	v5 =	vmul.f32 v62, v56;
	v0 =	vadd.f32 v8, v0  }
0x1a1: {  	v3 =	vmul.f32 v3, v56;
	v2 =	vadd.f32 v61, v2  }
0x1a2: {  	v63 =	vmul.f32 v63, v59;
	v0 =	vadd.f32 v5, v0  }
0x1a3: {  	v1 =	vmul.f32 v1, v59;
	v2 =	vadd.f32 v3, v2  }
0x1a4: {  	v0 =	vadd.f32 v63, v0  }
0x1a5: {  	s25 =	sadd.s32 $0x10, s25;
	v1 =	vadd.f32 v1, v2  }
0x1a6: {  	s24 =	sadd.s32 $0x10, s24;
	[tilespmem:s25+$0x0] =	vst v0  }
0x1a7: {  	[tilespmem:s24+$0x0] =	vst v1  }
0x1a8: {  	[hbm4b:s8+s2] =	stream.linear.scatter [tilespmem:s21], [sflag:$0x2], $0x200, $0x38;
	[tilespmem:$0xCA00] =	vst v63  }
0x1a9: {  	s23 =	sadd.s32 $0x1, s23;
	_ =	swait.ge [sflag:s11], $0x200  }
0x1aa: {  	p0 =	sne.s32 s23, s10;
	[sflag:s11] =	ssyncset.done $0x0  }
.Ltmp1:
0x1ab: {  	[sflag:s11] =	ssyncadd.s32 $0xFFFFFE00;
	(pc) =	sbr.rel @p0 .LBB2_1-.Ltmp1, $4  }
0x1ac: {  	[hbm4b:s9+s2] =	stream.linear.scatter [tilespmem:s22], [sflag:$0x2], $0x200, $0x38;
	[tilespmem:$0xCA00] =	vst v63  }
0x1ad: {  	_ =	swait.ge [sflag:s11], $0x200  }
0x1ae: {  	[sflag:s11] =	ssyncset.done $0x0  }
0x1af: {  	v0 =	vld [tilespmem:$0x1FFF0];
	[sflag:s11] =	ssyncadd.s32 $0xFFFFFE00  }
0x1b0: {  	_ =	sfence.sel $0x180000  }
0x1b1: {  	[bflag:$0x0] =	sbarrier.arrive $0xFFFF  }
0x1b2: {  	_ =	strace $0x90000047  }
0x1b3: {  	s0 =	stileid.u32;
	[bflag:$0x2] =	sbarrier.arrive $0xFFFF  }
0x1b4: {  	p0 =	sne.s32 s0, $0x0;
	s0 =	rddreg [dreg:$0x6]  }
0x1b5: {  	s0 =	sadd.s32 @!p0 $0x100000, s0  }
0x1b6: {  	[sflag:s0] =	ssyncadd.tile.s32 @!p0 $0x1;
	_ =	shalt  }
.Lfunc_end2:
_tile_overlayer_lowered:
.L_overlay_start_2:
0x1b7: {  	(tag) =	ssettag $0x2  }
0x1b8: {  	s0 =	rddreg [dreg:$0x0];
	s2 =	stileid.u32  }
0x1b9: {  	s1 =	rddreg [dreg:$0x1];
	p0 =	sne.s32 s2, $0x0  }
0x1ba: {  	s3 =	rddreg [dreg:$0x2];
	[bflag:$0x3] =	sbarrier.arrive $0xFFFF;
	s2 =	simm.s32 @!p0 $0x1C02  }
0x1bb: {  	[timem:s3], [sflag:s2] =	dma.local @!p0 [hbm:s0], s1  }
0x1bc: {  	s0 =	simm.s32 @!p0 $0x2  }
0x1bd: {  	_ =	swait.ge @!p0 [sflag:s0], s1  }
0x1be: {  	s1 =	ssub.s32 @!p0 $0x0, s1;
	[sflag:s0] =	ssyncset.done @!p0 $0x0  }
0x1bf: {  	[sflag:s0] =	ssyncadd.s32 @!p0 s1  }
0x1c0: {  	[bflag:$0x3] =	sbarrier.arrive $0xFFFF  }
0x1c1: {  	_ =	shalt  }

</sc_bundles>
